<compile_context>
chip_gen: v7x
topology: tpu7x:2x2x1
jax: 0.10.2.dev20260603
libtpu: 0.0.44.dev20260713+nightly
codegen_flags: <defaults>
</compile_context>

<pallas_src>
import functools

import jax
import jax.numpy as jnp
from jax import lax
from jax.experimental import pallas as pl
from jax.experimental.pallas import tpu as pltpu
from jax.experimental.pallas import tpu_sc as plsc

NC = 2
NS = 16
NW = NC * NS
CHUNK = 128


def _sc_gather_sum(nidx_t, features):
    k_samp, batch = nidx_t.shape
    feat_dim = features.shape[1]
    assert batch % CHUNK == 0
    n_chunks = batch // CHUNK
    per_w = (n_chunks + NW - 1) // NW
    mesh = plsc.VectorSubcoreMesh(
        core_axis_name="c", subcore_axis_name="s",
        num_cores=NC, num_subcores=NS)

    @functools.partial(
        pl.kernel,
        out_type=jax.ShapeDtypeStruct((batch, feat_dim), jnp.float32),
        mesh=mesh,
        scratch_types=[
            pltpu.VMEM((2, k_samp, CHUNK), jnp.int32),
            pltpu.VMEM((2, CHUNK, feat_dim), jnp.float32),
            pltpu.SemaphoreType.DMA,
            pltpu.SemaphoreType.DMA,
            pltpu.SemaphoreType.DMA,
            pltpu.SemaphoreType.DMA,
        ],
    )
    def sc_kernel(nidx_hbm, feat_hbm, out_hbm, idx2, acc2,
                  sem_idx, sem_j0, sem_add, sem_out):
        wid = lax.axis_index("s") * NC + lax.axis_index("c")

        def chunk_start(i):
            return pl.multiple_of((wid + i * NW) * CHUNK, CHUNK)

        def valid(i):
            return wid + i * NW < n_chunks

        def issue_idx(i, p):
            pltpu.async_copy(nidx_hbm.at[:, pl.ds(chunk_start(i), CHUNK)],
                             idx2.at[p], sem_idx)

        def wait_idx(p):
            pltpu.make_async_copy(nidx_hbm.at[:, pl.ds(0, CHUNK)],
                                  idx2.at[p], sem_idx).wait()

        def issue_j0(p):
            pltpu.async_copy(feat_hbm.at[idx2.at[p, 0]], acc2.at[p], sem_j0)

        def wait_j0(p):
            pltpu.make_async_copy(feat_hbm.at[pl.ds(0, CHUNK)], acc2.at[p],
                                  sem_j0).wait()

        def issue_adds(p):
            for _j in range(1, k_samp):
                pltpu.async_copy(feat_hbm.at[idx2.at[p, _j]], acc2.at[p],
                                 sem_add, add=True)

        def wait_adds(p):
            for _j in range(1, k_samp):
                pltpu.make_async_copy(feat_hbm.at[pl.ds(0, CHUNK)],
                                      acc2.at[p], sem_add).wait()

        def issue_out(i, p):
            pltpu.async_copy(acc2.at[p],
                             out_hbm.at[pl.ds(chunk_start(i), CHUNK), :],
                             sem_out)

        def wait_out(p):
            pltpu.make_async_copy(acc2.at[p],
                                  out_hbm.at[pl.ds(0, CHUNK), :],
                                  sem_out).wait()

        issue_idx(0, 0)

        @pl.when(valid(1))
        def _():
            issue_idx(1, 1)

        wait_idx(0)
        issue_j0(0)

        def body(i, carry):
            p = jnp.bitwise_and(i, 1)

            @pl.when(valid(i))
            def _():
                wait_j0(p)
                issue_adds(p)

                @pl.when(valid(i + 1))
                def _():
                    wait_idx(1 - p)

                    @pl.when(i >= 1)
                    def _():
                        wait_out(1 - p)

                    issue_j0(1 - p)

                wait_adds(p)
                issue_out(i, p)

                @pl.when(valid(i + 2))
                def _():
                    issue_idx(i + 2, p)

            return carry

        lax.fori_loop(0, per_w, body, 0)
        wait_out(0)
        wait_out(1)

    return sc_kernel(nidx_t, features)


def _tc_mlp(s, w0t, w1t, rows, total, out_buf, blk_off):
    feat_dim = s.shape[1]
    blk = 10000

    def body(s_ref, w0_ref, w1_ref, *rest):
        o_ref = rest[-1]
        h = jnp.dot(s_ref[...], w0_ref[...],
                    preferred_element_type=jnp.float32)
        h = jnp.maximum(h, 0.0)
        o = jnp.dot(h, w1_ref[...], preferred_element_type=jnp.float32)
        o_ref[...] = jnp.maximum(o, 0.0)

    in_specs = [
        pl.BlockSpec((blk, feat_dim), lambda i: (i, 0)),
        pl.BlockSpec(w0t.shape, lambda i: (0, 0)),
        pl.BlockSpec(w1t.shape, lambda i: (0, 0)),
    ]
    args = [s, w0t, w1t]
    aliases = {}
    if out_buf is not None:
        in_specs.append(pl.BlockSpec(memory_space=pl.ANY))
        args.append(out_buf)
        aliases = {3: 0}

    return pl.pallas_call(
        body,
        grid=(rows // blk,),
        in_specs=in_specs,
        out_specs=pl.BlockSpec((blk, feat_dim),
                               lambda i: (i + blk_off, 0)),
        out_shape=jax.ShapeDtypeStruct((total, feat_dim), jnp.float32),
        input_output_aliases=aliases,
    )(*args)


def kernel(nodes, neigh_idx, features, W, fc_W):
    batch, k_samp = neigh_idx.shape
    w0t = W.T * (1.0 / k_samp)
    w1t = fc_W.T
    pad = (-batch) % CHUNK
    nidx_t = jnp.pad(neigh_idx, ((0, pad), (0, 0))).T
    s = _sc_gather_sum(nidx_t, features)
    return _tc_mlp(s, w0t, w1t, batch, batch, None, 0)

# --- scband reference (transcript-rebuilt; emitter-appended) ---
"""Pipeline reference for scband-gcnencoder-386547056916 (READ-ONLY COPY).

The authoritative reference and input builder live on the scoring server;
editing this copy changes nothing except your own understanding.
"""

import jax, jax.numpy as jnp
import numpy as np

N_NODES = 100000
FEAT_DIM = 128
EMBED_DIM = 128
NUM_SAMPLE = 10
BATCH = 50000


def setup_inputs(seed: int = 0) -> dict:
    key = jax.random.key(seed)
    k1, k2, k3, k4, k5 = jax.random.split(key, 5)
    nodes = jax.random.randint(k1, (BATCH,), 0, N_NODES, dtype=jnp.int32)
    neigh_idx = jax.random.randint(k2, (BATCH, NUM_SAMPLE), 0, N_NODES, dtype=jnp.int32)
    features = jax.random.normal(k3, (N_NODES, FEAT_DIM), dtype=jnp.float32)
    # xavier_uniform for weight [embed_dim, feat_dim]
    limit_w = float(np.sqrt(6.0 / (EMBED_DIM + FEAT_DIM)))
    W = jax.random.uniform(k4, (EMBED_DIM, FEAT_DIM), minval=-limit_w, maxval=limit_w, dtype=jnp.float32)
    # nn.Linear(embed_dim, feature_dim, bias=False) weight shape [feat_dim, embed_dim]
    limit_fc = float(np.sqrt(1.0 / EMBED_DIM))
    fc_W = jax.random.uniform(k5, (FEAT_DIM, EMBED_DIM), minval=-limit_fc, maxval=limit_fc, dtype=jnp.float32)
    return {"nodes": nodes, "neigh_idx": neigh_idx, "features": features, "W": W, "fc_W": fc_W}


def reference(nodes, neigh_idx, features, W, fc_W):
    # MeanAggregator: gather sampled neighbor features and average (gcn=False)
    neigh_feats = jnp.take(features, neigh_idx, axis=0).mean(axis=1)  # [B, feat_dim]
    # combined = relu(weight.mm(neigh_feats.t()))  -> [embed_dim, B]
    combined = jax.nn.relu(jnp.matmul(W, neigh_feats.T))
    # combined = relu(fc(combined.t())) -> [B, feat_dim]
    out = jax.nn.relu(jnp.matmul(combined.T, fc_W.T))
    return out

if __name__ == "__main__":
    import jax
    _d = setup_inputs()
    print(jax.jit(kernel)(*tuple(_d.values())))

</pallas_src>

<mosaic_0001>
#map = affine_map<(d0, d1) -> (0, 0)>
module attributes {stable_mosaic.version = 14 : i64} {
  func.func @sc_kernel(%arg0: i32, %arg1: i32, %arg2: memref<10x50048xi32, #tpu.memory_space<hbm>>, %arg3: memref<100000x128xf32, #tpu.memory_space<hbm>>, %arg4: memref<50048x128xf32, #tpu.memory_space<hbm>>, %arg5: memref<2x10x128xi32, #tpu.memory_space<vmem>>, %arg6: memref<2x128x128xf32, #tpu.memory_space<vmem>>, %arg7: memref<!tpu.dma_semaphore, #tpu.memory_space<semaphore_mem>>, %arg8: memref<!tpu.dma_semaphore, #tpu.memory_space<semaphore_mem>>, %arg9: memref<!tpu.dma_semaphore, #tpu.memory_space<semaphore_mem>>, %arg10: memref<!tpu.dma_semaphore, #tpu.memory_space<semaphore_mem>>) attributes {dimension_semantics = [#tpu.dimension_semantics<core_parallel>, #tpu.dimension_semantics<subcore_parallel>], iteration_bounds = array<i64: 2, 16>, scalar_prefetch = 0 : i64, scratch_operands = 6 : i64, tpu.core_type = #tpu.core_type<sc_vector_subcore>, window_params = [{transform_indices = #map}, {transform_indices = #map}, {transform_indices = #map}]} {
    %mul3A = arith.constant 2 : i32
    %mul3A_0 = arith.muli %arg1, %mul3A : i32
    %add3A = arith.addi %mul3A_0, %arg0 : i32
    %add3A_1 = arith.constant 0 : i32
    %add3A_2 = arith.addi %add3A, %add3A_1 : i32
    %mul3A_3 = arith.constant 128 : i32
    %mul3A_4 = arith.muli %add3A_2, %mul3A_3 : i32
    %multiple_of3A = tpu.assume_multiple %mul3A_4, 128 : i32
    %dma_start3A = arith.constant 0 : i32
    %dma_start3A_5 = arith.constant 0 : i32
    %dma_start3A_6 = arith.constant 0 : i32
    %dma_start3A_7 = tpu.memref_slice %arg5[%dma_start3A, %dma_start3A_5, %dma_start3A_6] : memref<2x10x128xi32, #tpu.memory_space<vmem>> -> memref<1x10x128xi32, #tpu.memory_space<vmem>>
    %dma_start3A_8 = tpu.memref_squeeze %dma_start3A_7 : memref<1x10x128xi32, #tpu.memory_space<vmem>> -> memref<10x128xi32, #tpu.memory_space<vmem>>
    %dma_start3A_9 = arith.constant 0 : i32
    %dma_start3A_10 = tpu.memref_slice %arg2[%dma_start3A_9, %multiple_of3A] : memref<10x50048xi32, #tpu.memory_space<hbm>> -> memref<10x128xi32, #tpu.memory_space<hbm>>
    %dma_start3A_11 = arith.constant 0 : i32
    %dma_start3A_12 = arith.constant 0 : i32
    %dma_start3A_13 = tpu.memref_slice %arg5[%dma_start3A, %dma_start3A_11, %dma_start3A_12] : memref<2x10x128xi32, #tpu.memory_space<vmem>> -> memref<1x10x128xi32, #tpu.memory_space<vmem>>
    %dma_start3A_14 = tpu.memref_squeeze %dma_start3A_13 : memref<1x10x128xi32, #tpu.memory_space<vmem>> -> memref<10x128xi32, #tpu.memory_space<vmem>>
    %dma_start3A_15 = arith.constant 0 : i32
    %dma_start3A_16 = tpu.memref_slice %arg2[%dma_start3A_15, %multiple_of3A] : memref<10x50048xi32, #tpu.memory_space<hbm>> -> memref<10x128xi32, #tpu.memory_space<hbm>>
    tpu.enqueue_dma source(%dma_start3A_16 : memref<10x128xi32, #tpu.memory_space<hbm>>) target(%dma_start3A_14 : memref<10x128xi32, #tpu.memory_space<vmem>>) target_semaphore(%arg7 : memref<!tpu.dma_semaphore, #tpu.memory_space<semaphore_mem>>)
    %add3A_17 = arith.constant 32 : i32
    %add3A_18 = arith.addi %add3A, %add3A_17 : i32
    %lt3A = arith.constant 391 : i32
    %lt3A_19 = arith.cmpi slt, %add3A_18, %lt3A : i32
    %convert_element_type3A = arith.extui %lt3A_19 : i1 to i32
    %cond3A = arith.constant 0 : i32
    %cond3A_20 = arith.cmpi ne, %convert_element_type3A, %cond3A : i32
    scf.if %cond3A_20 {
      %add3A_83 = arith.constant 32 : i32
      %add3A_84 = arith.addi %add3A, %add3A_83 : i32
      %mul3A_85 = arith.constant 128 : i32
      %mul3A_86 = arith.muli %add3A_84, %mul3A_85 : i32
      %multiple_of3A_87 = tpu.assume_multiple %mul3A_86, 128 : i32
      %dma_start3A_88 = arith.constant 1 : i32
      %dma_start3A_89 = arith.constant 0 : i32
      %dma_start3A_90 = arith.constant 0 : i32
      %dma_start3A_91 = tpu.memref_slice %arg5[%dma_start3A_88, %dma_start3A_89, %dma_start3A_90] : memref<2x10x128xi32, #tpu.memory_space<vmem>> -> memref<1x10x128xi32, #tpu.memory_space<vmem>>
      %dma_start3A_92 = tpu.memref_squeeze %dma_start3A_91 : memref<1x10x128xi32, #tpu.memory_space<vmem>> -> memref<10x128xi32, #tpu.memory_space<vmem>>
      %dma_start3A_93 = arith.constant 0 : i32
      %dma_start3A_94 = tpu.memref_slice %arg2[%dma_start3A_93, %multiple_of3A_87] : memref<10x50048xi32, #tpu.memory_space<hbm>> -> memref<10x128xi32, #tpu.memory_space<hbm>>
      %dma_start3A_95 = arith.constant 0 : i32
      %dma_start3A_96 = arith.constant 0 : i32
      %dma_start3A_97 = tpu.memref_slice %arg5[%dma_start3A_88, %dma_start3A_95, %dma_start3A_96] : memref<2x10x128xi32, #tpu.memory_space<vmem>> -> memref<1x10x128xi32, #tpu.memory_space<vmem>>
      %dma_start3A_98 = tpu.memref_squeeze %dma_start3A_97 : memref<1x10x128xi32, #tpu.memory_space<vmem>> -> memref<10x128xi32, #tpu.memory_space<vmem>>
      %dma_start3A_99 = arith.constant 0 : i32
      %dma_start3A_100 = tpu.memref_slice %arg2[%dma_start3A_99, %multiple_of3A_87] : memref<10x50048xi32, #tpu.memory_space<hbm>> -> memref<10x128xi32, #tpu.memory_space<hbm>>
      tpu.enqueue_dma source(%dma_start3A_100 : memref<10x128xi32, #tpu.memory_space<hbm>>) target(%dma_start3A_98 : memref<10x128xi32, #tpu.memory_space<vmem>>) target_semaphore(%arg7 : memref<!tpu.dma_semaphore, #tpu.memory_space<semaphore_mem>>)
    } else {
    }
    %dma_wait3A = arith.constant 0 : i32
    %dma_wait3A_21 = arith.constant 0 : i32
    %dma_wait3A_22 = arith.constant 0 : i32
    %dma_wait3A_23 = tpu.memref_slice %arg5[%dma_wait3A, %dma_wait3A_21, %dma_wait3A_22] : memref<2x10x128xi32, #tpu.memory_space<vmem>> -> memref<1x10x128xi32, #tpu.memory_space<vmem>>
    %dma_wait3A_24 = tpu.memref_squeeze %dma_wait3A_23 : memref<1x10x128xi32, #tpu.memory_space<vmem>> -> memref<10x128xi32, #tpu.memory_space<vmem>>
    %dma_wait3A_25 = arith.constant 0 : i32
    %dma_wait3A_26 = arith.constant 0 : i32
    %dma_wait3A_27 = tpu.memref_slice %arg2[%dma_wait3A_25, %dma_wait3A_26] : memref<10x50048xi32, #tpu.memory_space<hbm>> -> memref<10x128xi32, #tpu.memory_space<hbm>>
    %dma_wait3A_28 = arith.constant 0 : i32
    %dma_wait3A_29 = arith.constant 0 : i32
    %dma_wait3A_30 = tpu.memref_slice %arg5[%dma_wait3A, %dma_wait3A_28, %dma_wait3A_29] : memref<2x10x128xi32, #tpu.memory_space<vmem>> -> memref<1x10x128xi32, #tpu.memory_space<vmem>>
    %dma_wait3A_31 = tpu.memref_squeeze %dma_wait3A_30 : memref<1x10x128xi32, #tpu.memory_space<vmem>> -> memref<10x128xi32, #tpu.memory_space<vmem>>
    %dma_wait3A_32 = arith.constant 0 : i32
    %dma_wait3A_33 = arith.constant 0 : i32
    %dma_wait3A_34 = tpu.memref_slice %arg2[%dma_wait3A_32, %dma_wait3A_33] : memref<10x50048xi32, #tpu.memory_space<hbm>> -> memref<10x128xi32, #tpu.memory_space<hbm>>
    tpu.wait_dma2 semaphore(%arg7 : memref<!tpu.dma_semaphore, #tpu.memory_space<semaphore_mem>>) src(%dma_wait3A_34 : memref<10x128xi32, #tpu.memory_space<hbm>>) dst(%dma_wait3A_31 : memref<10x128xi32, #tpu.memory_space<vmem>>)
    %dma_start3A_35 = arith.constant 0 : i32
    %dma_start3A_36 = arith.constant 0 : i32
    %dma_start3A_37 = arith.constant 0 : i32
    %dma_start3A_38 = arith.constant 0 : i32
    %dma_start3A_39 = arith.constant 0 : i32
    %dma_start3A_40 = tpu.memref_slice %arg6[%dma_start3A_37, %dma_start3A_38, %dma_start3A_39] : memref<2x128x128xf32, #tpu.memory_space<vmem>> -> memref<1x128x128xf32, #tpu.memory_space<vmem>>
    %dma_start3A_41 = tpu.memref_squeeze %dma_start3A_40 : memref<1x128x128xf32, #tpu.memory_space<vmem>> -> memref<128x128xf32, #tpu.memory_space<vmem>>
    %dma_start3A_42 = arith.constant 0 : i32
    %dma_start3A_43 = tpu.memref_slice %arg5[%dma_start3A_35, %dma_start3A_36, %dma_start3A_42] : memref<2x10x128xi32, #tpu.memory_space<vmem>> -> memref<1x1x128xi32, #tpu.memory_space<vmem>>
    %dma_start3A_44 = tpu.memref_squeeze %dma_start3A_43 : memref<1x1x128xi32, #tpu.memory_space<vmem>> -> memref<128xi32, #tpu.memory_space<vmem>>
    %dma_start3A_45 = arith.constant 0 : i32
    %dma_start3A_46 = arith.constant 0 : i32
    %dma_start3A_47 = tpu.memref_slice %arg3[%dma_start3A_45, %dma_start3A_46] : memref<100000x128xf32, #tpu.memory_space<hbm>> -> memref<100000x128xf32, #tpu.memory_space<hbm>>
    tpu.enqueue_indirect_dma source(%dma_start3A_47 : memref<100000x128xf32, #tpu.memory_space<hbm>>) target(%dma_start3A_41 : memref<128x128xf32, #tpu.memory_space<vmem>>) offsets(%dma_start3A_44 : memref<128xi32, #tpu.memory_space<vmem>>) semaphore(%arg8 : memref<!tpu.dma_semaphore, #tpu.memory_space<semaphore_mem>>)
    %scan3A = arith.constant 0 : i32
    %scan3A_48 = arith.constant 0 : i32
    %scan3A_49 = arith.constant 13 : i32
    %scan3A_50 = arith.addi %scan3A_48, %scan3A_49 : i32
    %scan3A_51 = arith.constant 1 : i32
    scf.for %scan3A_83 = %scan3A_48 to %scan3A_50 step %scan3A_51  : i32 {
      %and3A = arith.constant 1 : i32
      %and3A_84 = arith.andi %scan3A_83, %and3A : i32
      %mul3A_85 = arith.constant 32 : i32
      %mul3A_86 = arith.muli %scan3A_83, %mul3A_85 : i32
      %add3A_87 = arith.addi %add3A, %mul3A_86 : i32
      %lt3A_88 = arith.constant 391 : i32
      %lt3A_89 = arith.cmpi slt, %add3A_87, %lt3A_88 : i32
      %convert_element_type3A_90 = arith.extui %lt3A_89 : i1 to i32
      %cond3A_91 = arith.constant 0 : i32
      %cond3A_92 = arith.cmpi ne, %convert_element_type3A_90, %cond3A_91 : i32
      scf.if %cond3A_92 {
        %dma_wait3A_93 = arith.constant 0 : i32
        %dma_wait3A_94 = arith.constant 0 : i32
        %dma_wait3A_95 = tpu.memref_slice %arg6[%and3A_84, %dma_wait3A_93, %dma_wait3A_94] : memref<2x128x128xf32, #tpu.memory_space<vmem>> -> memref<1x128x128xf32, #tpu.memory_space<vmem>>
        %dma_wait3A_96 = tpu.memref_squeeze %dma_wait3A_95 : memref<1x128x128xf32, #tpu.memory_space<vmem>> -> memref<128x128xf32, #tpu.memory_space<vmem>>
        %dma_wait3A_97 = arith.constant 0 : i32
        %dma_wait3A_98 = arith.constant 0 : i32
        %dma_wait3A_99 = tpu.memref_slice %arg3[%dma_wait3A_97, %dma_wait3A_98] : memref<100000x128xf32, #tpu.memory_space<hbm>> -> memref<128x128xf32, #tpu.memory_space<hbm>>
        %dma_wait3A_100 = arith.constant 0 : i32
        %dma_wait3A_101 = arith.constant 0 : i32
        %dma_wait3A_102 = tpu.memref_slice %arg6[%and3A_84, %dma_wait3A_100, %dma_wait3A_101] : memref<2x128x128xf32, #tpu.memory_space<vmem>> -> memref<1x128x128xf32, #tpu.memory_space<vmem>>
        %dma_wait3A_103 = tpu.memref_squeeze %dma_wait3A_102 : memref<1x128x128xf32, #tpu.memory_space<vmem>> -> memref<128x128xf32, #tpu.memory_space<vmem>>
        %dma_wait3A_104 = arith.constant 0 : i32
        %dma_wait3A_105 = arith.constant 0 : i32
        %dma_wait3A_106 = tpu.memref_slice %arg3[%dma_wait3A_104, %dma_wait3A_105] : memref<100000x128xf32, #tpu.memory_space<hbm>> -> memref<128x128xf32, #tpu.memory_space<hbm>>
        tpu.wait_dma2 semaphore(%arg8 : memref<!tpu.dma_semaphore, #tpu.memory_space<semaphore_mem>>) src(%dma_wait3A_106 : memref<128x128xf32, #tpu.memory_space<hbm>>) dst(%dma_wait3A_103 : memref<128x128xf32, #tpu.memory_space<vmem>>)
        %dma_start3A_107 = arith.constant 1 : i32
        %dma_start3A_108 = arith.constant 0 : i32
        %dma_start3A_109 = arith.constant 0 : i32
        %dma_start3A_110 = tpu.memref_slice %arg6[%and3A_84, %dma_start3A_108, %dma_start3A_109] : memref<2x128x128xf32, #tpu.memory_space<vmem>> -> memref<1x128x128xf32, #tpu.memory_space<vmem>>
        %dma_start3A_111 = tpu.memref_squeeze %dma_start3A_110 : memref<1x128x128xf32, #tpu.memory_space<vmem>> -> memref<128x128xf32, #tpu.memory_space<vmem>>
        %dma_start3A_112 = arith.constant 0 : i32
        %dma_start3A_113 = tpu.memref_slice %arg5[%and3A_84, %dma_start3A_107, %dma_start3A_112] : memref<2x10x128xi32, #tpu.memory_space<vmem>> -> memref<1x1x128xi32, #tpu.memory_space<vmem>>
        %dma_start3A_114 = tpu.memref_squeeze %dma_start3A_113 : memref<1x1x128xi32, #tpu.memory_space<vmem>> -> memref<128xi32, #tpu.memory_space<vmem>>
        %dma_start3A_115 = arith.constant 0 : i32
        %dma_start3A_116 = arith.constant 0 : i32
        %dma_start3A_117 = tpu.memref_slice %arg3[%dma_start3A_115, %dma_start3A_116] : memref<100000x128xf32, #tpu.memory_space<hbm>> -> memref<100000x128xf32, #tpu.memory_space<hbm>>
        tpu.enqueue_indirect_dma source(%dma_start3A_117 : memref<100000x128xf32, #tpu.memory_space<hbm>>) target(%dma_start3A_111 : memref<128x128xf32, #tpu.memory_space<vmem>>) offsets(%dma_start3A_114 : memref<128xi32, #tpu.memory_space<vmem>>) semaphore(%arg9 : memref<!tpu.dma_semaphore, #tpu.memory_space<semaphore_mem>>) {add = true}
        %dma_start3A_118 = arith.constant 2 : i32
        %dma_start3A_119 = arith.constant 0 : i32
        %dma_start3A_120 = arith.constant 0 : i32
        %dma_start3A_121 = tpu.memref_slice %arg6[%and3A_84, %dma_start3A_119, %dma_start3A_120] : memref<2x128x128xf32, #tpu.memory_space<vmem>> -> memref<1x128x128xf32, #tpu.memory_space<vmem>>
        %dma_start3A_122 = tpu.memref_squeeze %dma_start3A_121 : memref<1x128x128xf32, #tpu.memory_space<vmem>> -> memref<128x128xf32, #tpu.memory_space<vmem>>
        %dma_start3A_123 = arith.constant 0 : i32
        %dma_start3A_124 = tpu.memref_slice %arg5[%and3A_84, %dma_start3A_118, %dma_start3A_123] : memref<2x10x128xi32, #tpu.memory_space<vmem>> -> memref<1x1x128xi32, #tpu.memory_space<vmem>>
        %dma_start3A_125 = tpu.memref_squeeze %dma_start3A_124 : memref<1x1x128xi32, #tpu.memory_space<vmem>> -> memref<128xi32, #tpu.memory_space<vmem>>
        %dma_start3A_126 = arith.constant 0 : i32
        %dma_start3A_127 = arith.constant 0 : i32
        %dma_start3A_128 = tpu.memref_slice %arg3[%dma_start3A_126, %dma_start3A_127] : memref<100000x128xf32, #tpu.memory_space<hbm>> -> memref<100000x128xf32, #tpu.memory_space<hbm>>
        tpu.enqueue_indirect_dma source(%dma_start3A_128 : memref<100000x128xf32, #tpu.memory_space<hbm>>) target(%dma_start3A_122 : memref<128x128xf32, #tpu.memory_space<vmem>>) offsets(%dma_start3A_125 : memref<128xi32, #tpu.memory_space<vmem>>) semaphore(%arg9 : memref<!tpu.dma_semaphore, #tpu.memory_space<semaphore_mem>>) {add = true}
        %dma_start3A_129 = arith.constant 3 : i32
        %dma_start3A_130 = arith.constant 0 : i32
        %dma_start3A_131 = arith.constant 0 : i32
        %dma_start3A_132 = tpu.memref_slice %arg6[%and3A_84, %dma_start3A_130, %dma_start3A_131] : memref<2x128x128xf32, #tpu.memory_space<vmem>> -> memref<1x128x128xf32, #tpu.memory_space<vmem>>
        %dma_start3A_133 = tpu.memref_squeeze %dma_start3A_132 : memref<1x128x128xf32, #tpu.memory_space<vmem>> -> memref<128x128xf32, #tpu.memory_space<vmem>>
        %dma_start3A_134 = arith.constant 0 : i32
        %dma_start3A_135 = tpu.memref_slice %arg5[%and3A_84, %dma_start3A_129, %dma_start3A_134] : memref<2x10x128xi32, #tpu.memory_space<vmem>> -> memref<1x1x128xi32, #tpu.memory_space<vmem>>
        %dma_start3A_136 = tpu.memref_squeeze %dma_start3A_135 : memref<1x1x128xi32, #tpu.memory_space<vmem>> -> memref<128xi32, #tpu.memory_space<vmem>>
        %dma_start3A_137 = arith.constant 0 : i32
        %dma_start3A_138 = arith.constant 0 : i32
        %dma_start3A_139 = tpu.memref_slice %arg3[%dma_start3A_137, %dma_start3A_138] : memref<100000x128xf32, #tpu.memory_space<hbm>> -> memref<100000x128xf32, #tpu.memory_space<hbm>>
        tpu.enqueue_indirect_dma source(%dma_start3A_139 : memref<100000x128xf32, #tpu.memory_space<hbm>>) target(%dma_start3A_133 : memref<128x128xf32, #tpu.memory_space<vmem>>) offsets(%dma_start3A_136 : memref<128xi32, #tpu.memory_space<vmem>>) semaphore(%arg9 : memref<!tpu.dma_semaphore, #tpu.memory_space<semaphore_mem>>) {add = true}
        %dma_start3A_140 = arith.constant 4 : i32
        %dma_start3A_141 = arith.constant 0 : i32
        %dma_start3A_142 = arith.constant 0 : i32
        %dma_start3A_143 = tpu.memref_slice %arg6[%and3A_84, %dma_start3A_141, %dma_start3A_142] : memref<2x128x128xf32, #tpu.memory_space<vmem>> -> memref<1x128x128xf32, #tpu.memory_space<vmem>>
        %dma_start3A_144 = tpu.memref_squeeze %dma_start3A_143 : memref<1x128x128xf32, #tpu.memory_space<vmem>> -> memref<128x128xf32, #tpu.memory_space<vmem>>
        %dma_start3A_145 = arith.constant 0 : i32
        %dma_start3A_146 = tpu.memref_slice %arg5[%and3A_84, %dma_start3A_140, %dma_start3A_145] : memref<2x10x128xi32, #tpu.memory_space<vmem>> -> memref<1x1x128xi32, #tpu.memory_space<vmem>>
        %dma_start3A_147 = tpu.memref_squeeze %dma_start3A_146 : memref<1x1x128xi32, #tpu.memory_space<vmem>> -> memref<128xi32, #tpu.memory_space<vmem>>
        %dma_start3A_148 = arith.constant 0 : i32
        %dma_start3A_149 = arith.constant 0 : i32
        %dma_start3A_150 = tpu.memref_slice %arg3[%dma_start3A_148, %dma_start3A_149] : memref<100000x128xf32, #tpu.memory_space<hbm>> -> memref<100000x128xf32, #tpu.memory_space<hbm>>
        tpu.enqueue_indirect_dma source(%dma_start3A_150 : memref<100000x128xf32, #tpu.memory_space<hbm>>) target(%dma_start3A_144 : memref<128x128xf32, #tpu.memory_space<vmem>>) offsets(%dma_start3A_147 : memref<128xi32, #tpu.memory_space<vmem>>) semaphore(%arg9 : memref<!tpu.dma_semaphore, #tpu.memory_space<semaphore_mem>>) {add = true}
        %dma_start3A_151 = arith.constant 5 : i32
        %dma_start3A_152 = arith.constant 0 : i32
        %dma_start3A_153 = arith.constant 0 : i32
        %dma_start3A_154 = tpu.memref_slice %arg6[%and3A_84, %dma_start3A_152, %dma_start3A_153] : memref<2x128x128xf32, #tpu.memory_space<vmem>> -> memref<1x128x128xf32, #tpu.memory_space<vmem>>
        %dma_start3A_155 = tpu.memref_squeeze %dma_start3A_154 : memref<1x128x128xf32, #tpu.memory_space<vmem>> -> memref<128x128xf32, #tpu.memory_space<vmem>>
        %dma_start3A_156 = arith.constant 0 : i32
        %dma_start3A_157 = tpu.memref_slice %arg5[%and3A_84, %dma_start3A_151, %dma_start3A_156] : memref<2x10x128xi32, #tpu.memory_space<vmem>> -> memref<1x1x128xi32, #tpu.memory_space<vmem>>
        %dma_start3A_158 = tpu.memref_squeeze %dma_start3A_157 : memref<1x1x128xi32, #tpu.memory_space<vmem>> -> memref<128xi32, #tpu.memory_space<vmem>>
        %dma_start3A_159 = arith.constant 0 : i32
        %dma_start3A_160 = arith.constant 0 : i32
        %dma_start3A_161 = tpu.memref_slice %arg3[%dma_start3A_159, %dma_start3A_160] : memref<100000x128xf32, #tpu.memory_space<hbm>> -> memref<100000x128xf32, #tpu.memory_space<hbm>>
        tpu.enqueue_indirect_dma source(%dma_start3A_161 : memref<100000x128xf32, #tpu.memory_space<hbm>>) target(%dma_start3A_155 : memref<128x128xf32, #tpu.memory_space<vmem>>) offsets(%dma_start3A_158 : memref<128xi32, #tpu.memory_space<vmem>>) semaphore(%arg9 : memref<!tpu.dma_semaphore, #tpu.memory_space<semaphore_mem>>) {add = true}
        %dma_start3A_162 = arith.constant 6 : i32
        %dma_start3A_163 = arith.constant 0 : i32
        %dma_start3A_164 = arith.constant 0 : i32
        %dma_start3A_165 = tpu.memref_slice %arg6[%and3A_84, %dma_start3A_163, %dma_start3A_164] : memref<2x128x128xf32, #tpu.memory_space<vmem>> -> memref<1x128x128xf32, #tpu.memory_space<vmem>>
        %dma_start3A_166 = tpu.memref_squeeze %dma_start3A_165 : memref<1x128x128xf32, #tpu.memory_space<vmem>> -> memref<128x128xf32, #tpu.memory_space<vmem>>
        %dma_start3A_167 = arith.constant 0 : i32
        %dma_start3A_168 = tpu.memref_slice %arg5[%and3A_84, %dma_start3A_162, %dma_start3A_167] : memref<2x10x128xi32, #tpu.memory_space<vmem>> -> memref<1x1x128xi32, #tpu.memory_space<vmem>>
        %dma_start3A_169 = tpu.memref_squeeze %dma_start3A_168 : memref<1x1x128xi32, #tpu.memory_space<vmem>> -> memref<128xi32, #tpu.memory_space<vmem>>
        %dma_start3A_170 = arith.constant 0 : i32
        %dma_start3A_171 = arith.constant 0 : i32
        %dma_start3A_172 = tpu.memref_slice %arg3[%dma_start3A_170, %dma_start3A_171] : memref<100000x128xf32, #tpu.memory_space<hbm>> -> memref<100000x128xf32, #tpu.memory_space<hbm>>
        tpu.enqueue_indirect_dma source(%dma_start3A_172 : memref<100000x128xf32, #tpu.memory_space<hbm>>) target(%dma_start3A_166 : memref<128x128xf32, #tpu.memory_space<vmem>>) offsets(%dma_start3A_169 : memref<128xi32, #tpu.memory_space<vmem>>) semaphore(%arg9 : memref<!tpu.dma_semaphore, #tpu.memory_space<semaphore_mem>>) {add = true}
        %dma_start3A_173 = arith.constant 7 : i32
        %dma_start3A_174 = arith.constant 0 : i32
        %dma_start3A_175 = arith.constant 0 : i32
        %dma_start3A_176 = tpu.memref_slice %arg6[%and3A_84, %dma_start3A_174, %dma_start3A_175] : memref<2x128x128xf32, #tpu.memory_space<vmem>> -> memref<1x128x128xf32, #tpu.memory_space<vmem>>
        %dma_start3A_177 = tpu.memref_squeeze %dma_start3A_176 : memref<1x128x128xf32, #tpu.memory_space<vmem>> -> memref<128x128xf32, #tpu.memory_space<vmem>>
        %dma_start3A_178 = arith.constant 0 : i32
        %dma_start3A_179 = tpu.memref_slice %arg5[%and3A_84, %dma_start3A_173, %dma_start3A_178] : memref<2x10x128xi32, #tpu.memory_space<vmem>> -> memref<1x1x128xi32, #tpu.memory_space<vmem>>
        %dma_start3A_180 = tpu.memref_squeeze %dma_start3A_179 : memref<1x1x128xi32, #tpu.memory_space<vmem>> -> memref<128xi32, #tpu.memory_space<vmem>>
        %dma_start3A_181 = arith.constant 0 : i32
        %dma_start3A_182 = arith.constant 0 : i32
        %dma_start3A_183 = tpu.memref_slice %arg3[%dma_start3A_181, %dma_start3A_182] : memref<100000x128xf32, #tpu.memory_space<hbm>> -> memref<100000x128xf32, #tpu.memory_space<hbm>>
        tpu.enqueue_indirect_dma source(%dma_start3A_183 : memref<100000x128xf32, #tpu.memory_space<hbm>>) target(%dma_start3A_177 : memref<128x128xf32, #tpu.memory_space<vmem>>) offsets(%dma_start3A_180 : memref<128xi32, #tpu.memory_space<vmem>>) semaphore(%arg9 : memref<!tpu.dma_semaphore, #tpu.memory_space<semaphore_mem>>) {add = true}
        %dma_start3A_184 = arith.constant 8 : i32
        %dma_start3A_185 = arith.constant 0 : i32
        %dma_start3A_186 = arith.constant 0 : i32
        %dma_start3A_187 = tpu.memref_slice %arg6[%and3A_84, %dma_start3A_185, %dma_start3A_186] : memref<2x128x128xf32, #tpu.memory_space<vmem>> -> memref<1x128x128xf32, #tpu.memory_space<vmem>>
        %dma_start3A_188 = tpu.memref_squeeze %dma_start3A_187 : memref<1x128x128xf32, #tpu.memory_space<vmem>> -> memref<128x128xf32, #tpu.memory_space<vmem>>
        %dma_start3A_189 = arith.constant 0 : i32
        %dma_start3A_190 = tpu.memref_slice %arg5[%and3A_84, %dma_start3A_184, %dma_start3A_189] : memref<2x10x128xi32, #tpu.memory_space<vmem>> -> memref<1x1x128xi32, #tpu.memory_space<vmem>>
        %dma_start3A_191 = tpu.memref_squeeze %dma_start3A_190 : memref<1x1x128xi32, #tpu.memory_space<vmem>> -> memref<128xi32, #tpu.memory_space<vmem>>
        %dma_start3A_192 = arith.constant 0 : i32
        %dma_start3A_193 = arith.constant 0 : i32
        %dma_start3A_194 = tpu.memref_slice %arg3[%dma_start3A_192, %dma_start3A_193] : memref<100000x128xf32, #tpu.memory_space<hbm>> -> memref<100000x128xf32, #tpu.memory_space<hbm>>
        tpu.enqueue_indirect_dma source(%dma_start3A_194 : memref<100000x128xf32, #tpu.memory_space<hbm>>) target(%dma_start3A_188 : memref<128x128xf32, #tpu.memory_space<vmem>>) offsets(%dma_start3A_191 : memref<128xi32, #tpu.memory_space<vmem>>) semaphore(%arg9 : memref<!tpu.dma_semaphore, #tpu.memory_space<semaphore_mem>>) {add = true}
        %dma_start3A_195 = arith.constant 9 : i32
        %dma_start3A_196 = arith.constant 0 : i32
        %dma_start3A_197 = arith.constant 0 : i32
        %dma_start3A_198 = tpu.memref_slice %arg6[%and3A_84, %dma_start3A_196, %dma_start3A_197] : memref<2x128x128xf32, #tpu.memory_space<vmem>> -> memref<1x128x128xf32, #tpu.memory_space<vmem>>
        %dma_start3A_199 = tpu.memref_squeeze %dma_start3A_198 : memref<1x128x128xf32, #tpu.memory_space<vmem>> -> memref<128x128xf32, #tpu.memory_space<vmem>>
        %dma_start3A_200 = arith.constant 0 : i32
        %dma_start3A_201 = tpu.memref_slice %arg5[%and3A_84, %dma_start3A_195, %dma_start3A_200] : memref<2x10x128xi32, #tpu.memory_space<vmem>> -> memref<1x1x128xi32, #tpu.memory_space<vmem>>
        %dma_start3A_202 = tpu.memref_squeeze %dma_start3A_201 : memref<1x1x128xi32, #tpu.memory_space<vmem>> -> memref<128xi32, #tpu.memory_space<vmem>>
        %dma_start3A_203 = arith.constant 0 : i32
        %dma_start3A_204 = arith.constant 0 : i32
        %dma_start3A_205 = tpu.memref_slice %arg3[%dma_start3A_203, %dma_start3A_204] : memref<100000x128xf32, #tpu.memory_space<hbm>> -> memref<100000x128xf32, #tpu.memory_space<hbm>>
        tpu.enqueue_indirect_dma source(%dma_start3A_205 : memref<100000x128xf32, #tpu.memory_space<hbm>>) target(%dma_start3A_199 : memref<128x128xf32, #tpu.memory_space<vmem>>) offsets(%dma_start3A_202 : memref<128xi32, #tpu.memory_space<vmem>>) semaphore(%arg9 : memref<!tpu.dma_semaphore, #tpu.memory_space<semaphore_mem>>) {add = true}
        %add3A_206 = arith.constant 1 : i32
        %add3A_207 = arith.addi %scan3A_83, %add3A_206 : i32
        %mul3A_208 = arith.constant 32 : i32
        %mul3A_209 = arith.muli %add3A_207, %mul3A_208 : i32
        %add3A_210 = arith.addi %add3A, %mul3A_209 : i32
        %lt3A_211 = arith.constant 391 : i32
        %lt3A_212 = arith.cmpi slt, %add3A_210, %lt3A_211 : i32
        %convert_element_type3A_213 = arith.extui %lt3A_212 : i1 to i32
        %cond3A_214 = arith.constant 0 : i32
        %cond3A_215 = arith.cmpi ne, %convert_element_type3A_213, %cond3A_214 : i32
        scf.if %cond3A_215 {
          %sub3A = arith.constant 1 : i32
          %sub3A_370 = arith.subi %sub3A, %and3A_84 : i32
          %dma_wait3A_371 = arith.constant 0 : i32
          %dma_wait3A_372 = arith.constant 0 : i32
          %dma_wait3A_373 = tpu.memref_slice %arg5[%sub3A_370, %dma_wait3A_371, %dma_wait3A_372] : memref<2x10x128xi32, #tpu.memory_space<vmem>> -> memref<1x10x128xi32, #tpu.memory_space<vmem>>
          %dma_wait3A_374 = tpu.memref_squeeze %dma_wait3A_373 : memref<1x10x128xi32, #tpu.memory_space<vmem>> -> memref<10x128xi32, #tpu.memory_space<vmem>>
          %dma_wait3A_375 = arith.constant 0 : i32
          %dma_wait3A_376 = arith.constant 0 : i32
          %dma_wait3A_377 = tpu.memref_slice %arg2[%dma_wait3A_375, %dma_wait3A_376] : memref<10x50048xi32, #tpu.memory_space<hbm>> -> memref<10x128xi32, #tpu.memory_space<hbm>>
          %dma_wait3A_378 = arith.constant 0 : i32
          %dma_wait3A_379 = arith.constant 0 : i32
          %dma_wait3A_380 = tpu.memref_slice %arg5[%sub3A_370, %dma_wait3A_378, %dma_wait3A_379] : memref<2x10x128xi32, #tpu.memory_space<vmem>> -> memref<1x10x128xi32, #tpu.memory_space<vmem>>
          %dma_wait3A_381 = tpu.memref_squeeze %dma_wait3A_380 : memref<1x10x128xi32, #tpu.memory_space<vmem>> -> memref<10x128xi32, #tpu.memory_space<vmem>>
          %dma_wait3A_382 = arith.constant 0 : i32
          %dma_wait3A_383 = arith.constant 0 : i32
          %dma_wait3A_384 = tpu.memref_slice %arg2[%dma_wait3A_382, %dma_wait3A_383] : memref<10x50048xi32, #tpu.memory_space<hbm>> -> memref<10x128xi32, #tpu.memory_space<hbm>>
          tpu.wait_dma2 semaphore(%arg7 : memref<!tpu.dma_semaphore, #tpu.memory_space<semaphore_mem>>) src(%dma_wait3A_384 : memref<10x128xi32, #tpu.memory_space<hbm>>) dst(%dma_wait3A_381 : memref<10x128xi32, #tpu.memory_space<vmem>>)
          %ge3A = arith.constant 1 : i32
          %ge3A_385 = arith.cmpi sge, %scan3A_83, %ge3A : i32
          %convert_element_type3A_386 = arith.extui %ge3A_385 : i1 to i32
          %cond3A_387 = arith.constant 0 : i32
          %cond3A_388 = arith.cmpi ne, %convert_element_type3A_386, %cond3A_387 : i32
          scf.if %cond3A_388 {
            %sub3A_402 = arith.constant 1 : i32
            %sub3A_403 = arith.subi %sub3A_402, %and3A_84 : i32
            %dma_wait3A_404 = arith.constant 0 : i32
            %dma_wait3A_405 = arith.constant 0 : i32
            %dma_wait3A_406 = tpu.memref_slice %arg6[%sub3A_403, %dma_wait3A_404, %dma_wait3A_405] : memref<2x128x128xf32, #tpu.memory_space<vmem>> -> memref<1x128x128xf32, #tpu.memory_space<vmem>>
            %dma_wait3A_407 = tpu.memref_squeeze %dma_wait3A_406 : memref<1x128x128xf32, #tpu.memory_space<vmem>> -> memref<128x128xf32, #tpu.memory_space<vmem>>
            %dma_wait3A_408 = arith.constant 0 : i32
            %dma_wait3A_409 = arith.constant 0 : i32
            %dma_wait3A_410 = tpu.memref_slice %arg4[%dma_wait3A_408, %dma_wait3A_409] : memref<50048x128xf32, #tpu.memory_space<hbm>> -> memref<128x128xf32, #tpu.memory_space<hbm>>
            %dma_wait3A_411 = arith.constant 0 : i32
            %dma_wait3A_412 = arith.constant 0 : i32
            %dma_wait3A_413 = tpu.memref_slice %arg4[%dma_wait3A_411, %dma_wait3A_412] : memref<50048x128xf32, #tpu.memory_space<hbm>> -> memref<128x128xf32, #tpu.memory_space<hbm>>
            %dma_wait3A_414 = arith.constant 0 : i32
            %dma_wait3A_415 = arith.constant 0 : i32
            %dma_wait3A_416 = tpu.memref_slice %arg6[%sub3A_403, %dma_wait3A_414, %dma_wait3A_415] : memref<2x128x128xf32, #tpu.memory_space<vmem>> -> memref<1x128x128xf32, #tpu.memory_space<vmem>>
            %dma_wait3A_417 = tpu.memref_squeeze %dma_wait3A_416 : memref<1x128x128xf32, #tpu.memory_space<vmem>> -> memref<128x128xf32, #tpu.memory_space<vmem>>
            tpu.wait_dma2 semaphore(%arg10 : memref<!tpu.dma_semaphore, #tpu.memory_space<semaphore_mem>>) src(%dma_wait3A_417 : memref<128x128xf32, #tpu.memory_space<vmem>>) dst(%dma_wait3A_413 : memref<128x128xf32, #tpu.memory_space<hbm>>)
          } else {
          }
          %sub3A_389 = arith.constant 1 : i32
          %sub3A_390 = arith.subi %sub3A_389, %and3A_84 : i32
          %dma_start3A_391 = arith.constant 0 : i32
          %dma_start3A_392 = arith.constant 0 : i32
          %dma_start3A_393 = arith.constant 0 : i32
          %dma_start3A_394 = tpu.memref_slice %arg6[%sub3A_390, %dma_start3A_392, %dma_start3A_393] : memref<2x128x128xf32, #tpu.memory_space<vmem>> -> memref<1x128x128xf32, #tpu.memory_space<vmem>>
          %dma_start3A_395 = tpu.memref_squeeze %dma_start3A_394 : memref<1x128x128xf32, #tpu.memory_space<vmem>> -> memref<128x128xf32, #tpu.memory_space<vmem>>
          %dma_start3A_396 = arith.constant 0 : i32
          %dma_start3A_397 = tpu.memref_slice %arg5[%sub3A_390, %dma_start3A_391, %dma_start3A_396] : memref<2x10x128xi32, #tpu.memory_space<vmem>> -> memref<1x1x128xi32, #tpu.memory_space<vmem>>
          %dma_start3A_398 = tpu.memref_squeeze %dma_start3A_397 : memref<1x1x128xi32, #tpu.memory_space<vmem>> -> memref<128xi32, #tpu.memory_space<vmem>>
          %dma_start3A_399 = arith.constant 0 : i32
          %dma_start3A_400 = arith.constant 0 : i32
          %dma_start3A_401 = tpu.memref_slice %arg3[%dma_start3A_399, %dma_start3A_400] : memref<100000x128xf32, #tpu.memory_space<hbm>> -> memref<100000x128xf32, #tpu.memory_space<hbm>>
          tpu.enqueue_indirect_dma source(%dma_start3A_401 : memref<100000x128xf32, #tpu.memory_space<hbm>>) target(%dma_start3A_395 : memref<128x128xf32, #tpu.memory_space<vmem>>) offsets(%dma_start3A_398 : memref<128xi32, #tpu.memory_space<vmem>>) semaphore(%arg8 : memref<!tpu.dma_semaphore, #tpu.memory_space<semaphore_mem>>)
        } else {
        }
        %dma_wait3A_216 = arith.constant 0 : i32
        %dma_wait3A_217 = arith.constant 0 : i32
        %dma_wait3A_218 = tpu.memref_slice %arg6[%and3A_84, %dma_wait3A_216, %dma_wait3A_217] : memref<2x128x128xf32, #tpu.memory_space<vmem>> -> memref<1x128x128xf32, #tpu.memory_space<vmem>>
        %dma_wait3A_219 = tpu.memref_squeeze %dma_wait3A_218 : memref<1x128x128xf32, #tpu.memory_space<vmem>> -> memref<128x128xf32, #tpu.memory_space<vmem>>
        %dma_wait3A_220 = arith.constant 0 : i32
        %dma_wait3A_221 = arith.constant 0 : i32
        %dma_wait3A_222 = tpu.memref_slice %arg3[%dma_wait3A_220, %dma_wait3A_221] : memref<100000x128xf32, #tpu.memory_space<hbm>> -> memref<128x128xf32, #tpu.memory_space<hbm>>
        %dma_wait3A_223 = arith.constant 0 : i32
        %dma_wait3A_224 = arith.constant 0 : i32
        %dma_wait3A_225 = tpu.memref_slice %arg6[%and3A_84, %dma_wait3A_223, %dma_wait3A_224] : memref<2x128x128xf32, #tpu.memory_space<vmem>> -> memref<1x128x128xf32, #tpu.memory_space<vmem>>
        %dma_wait3A_226 = tpu.memref_squeeze %dma_wait3A_225 : memref<1x128x128xf32, #tpu.memory_space<vmem>> -> memref<128x128xf32, #tpu.memory_space<vmem>>
        %dma_wait3A_227 = arith.constant 0 : i32
        %dma_wait3A_228 = arith.constant 0 : i32
        %dma_wait3A_229 = tpu.memref_slice %arg3[%dma_wait3A_227, %dma_wait3A_228] : memref<100000x128xf32, #tpu.memory_space<hbm>> -> memref<128x128xf32, #tpu.memory_space<hbm>>
        tpu.wait_dma2 semaphore(%arg9 : memref<!tpu.dma_semaphore, #tpu.memory_space<semaphore_mem>>) src(%dma_wait3A_229 : memref<128x128xf32, #tpu.memory_space<hbm>>) dst(%dma_wait3A_226 : memref<128x128xf32, #tpu.memory_space<vmem>>)
        %dma_wait3A_230 = arith.constant 0 : i32
        %dma_wait3A_231 = arith.constant 0 : i32
        %dma_wait3A_232 = tpu.memref_slice %arg6[%and3A_84, %dma_wait3A_230, %dma_wait3A_231] : memref<2x128x128xf32, #tpu.memory_space<vmem>> -> memref<1x128x128xf32, #tpu.memory_space<vmem>>
        %dma_wait3A_233 = tpu.memref_squeeze %dma_wait3A_232 : memref<1x128x128xf32, #tpu.memory_space<vmem>> -> memref<128x128xf32, #tpu.memory_space<vmem>>
        %dma_wait3A_234 = arith.constant 0 : i32
        %dma_wait3A_235 = arith.constant 0 : i32
        %dma_wait3A_236 = tpu.memref_slice %arg3[%dma_wait3A_234, %dma_wait3A_235] : memref<100000x128xf32, #tpu.memory_space<hbm>> -> memref<128x128xf32, #tpu.memory_space<hbm>>
        %dma_wait3A_237 = arith.constant 0 : i32
        %dma_wait3A_238 = arith.constant 0 : i32
        %dma_wait3A_239 = tpu.memref_slice %arg6[%and3A_84, %dma_wait3A_237, %dma_wait3A_238] : memref<2x128x128xf32, #tpu.memory_space<vmem>> -> memref<1x128x128xf32, #tpu.memory_space<vmem>>
        %dma_wait3A_240 = tpu.memref_squeeze %dma_wait3A_239 : memref<1x128x128xf32, #tpu.memory_space<vmem>> -> memref<128x128xf32, #tpu.memory_space<vmem>>
        %dma_wait3A_241 = arith.constant 0 : i32
        %dma_wait3A_242 = arith.constant 0 : i32
        %dma_wait3A_243 = tpu.memref_slice %arg3[%dma_wait3A_241, %dma_wait3A_242] : memref<100000x128xf32, #tpu.memory_space<hbm>> -> memref<128x128xf32, #tpu.memory_space<hbm>>
        tpu.wait_dma2 semaphore(%arg9 : memref<!tpu.dma_semaphore, #tpu.memory_space<semaphore_mem>>) src(%dma_wait3A_243 : memref<128x128xf32, #tpu.memory_space<hbm>>) dst(%dma_wait3A_240 : memref<128x128xf32, #tpu.memory_space<vmem>>)
        %dma_wait3A_244 = arith.constant 0 : i32
        %dma_wait3A_245 = arith.constant 0 : i32
        %dma_wait3A_246 = tpu.memref_slice %arg6[%and3A_84, %dma_wait3A_244, %dma_wait3A_245] : memref<2x128x128xf32, #tpu.memory_space<vmem>> -> memref<1x128x128xf32, #tpu.memory_space<vmem>>
        %dma_wait3A_247 = tpu.memref_squeeze %dma_wait3A_246 : memref<1x128x128xf32, #tpu.memory_space<vmem>> -> memref<128x128xf32, #tpu.memory_space<vmem>>
        %dma_wait3A_248 = arith.constant 0 : i32
        %dma_wait3A_249 = arith.constant 0 : i32
        %dma_wait3A_250 = tpu.memref_slice %arg3[%dma_wait3A_248, %dma_wait3A_249] : memref<100000x128xf32, #tpu.memory_space<hbm>> -> memref<128x128xf32, #tpu.memory_space<hbm>>
        %dma_wait3A_251 = arith.constant 0 : i32
        %dma_wait3A_252 = arith.constant 0 : i32
        %dma_wait3A_253 = tpu.memref_slice %arg6[%and3A_84, %dma_wait3A_251, %dma_wait3A_252] : memref<2x128x128xf32, #tpu.memory_space<vmem>> -> memref<1x128x128xf32, #tpu.memory_space<vmem>>
        %dma_wait3A_254 = tpu.memref_squeeze %dma_wait3A_253 : memref<1x128x128xf32, #tpu.memory_space<vmem>> -> memref<128x128xf32, #tpu.memory_space<vmem>>
        %dma_wait3A_255 = arith.constant 0 : i32
        %dma_wait3A_256 = arith.constant 0 : i32
        %dma_wait3A_257 = tpu.memref_slice %arg3[%dma_wait3A_255, %dma_wait3A_256] : memref<100000x128xf32, #tpu.memory_space<hbm>> -> memref<128x128xf32, #tpu.memory_space<hbm>>
        tpu.wait_dma2 semaphore(%arg9 : memref<!tpu.dma_semaphore, #tpu.memory_space<semaphore_mem>>) src(%dma_wait3A_257 : memref<128x128xf32, #tpu.memory_space<hbm>>) dst(%dma_wait3A_254 : memref<128x128xf32, #tpu.memory_space<vmem>>)
        %dma_wait3A_258 = arith.constant 0 : i32
        %dma_wait3A_259 = arith.constant 0 : i32
        %dma_wait3A_260 = tpu.memref_slice %arg6[%and3A_84, %dma_wait3A_258, %dma_wait3A_259] : memref<2x128x128xf32, #tpu.memory_space<vmem>> -> memref<1x128x128xf32, #tpu.memory_space<vmem>>
        %dma_wait3A_261 = tpu.memref_squeeze %dma_wait3A_260 : memref<1x128x128xf32, #tpu.memory_space<vmem>> -> memref<128x128xf32, #tpu.memory_space<vmem>>
        %dma_wait3A_262 = arith.constant 0 : i32
        %dma_wait3A_263 = arith.constant 0 : i32
        %dma_wait3A_264 = tpu.memref_slice %arg3[%dma_wait3A_262, %dma_wait3A_263] : memref<100000x128xf32, #tpu.memory_space<hbm>> -> memref<128x128xf32, #tpu.memory_space<hbm>>
        %dma_wait3A_265 = arith.constant 0 : i32
        %dma_wait3A_266 = arith.constant 0 : i32
        %dma_wait3A_267 = tpu.memref_slice %arg6[%and3A_84, %dma_wait3A_265, %dma_wait3A_266] : memref<2x128x128xf32, #tpu.memory_space<vmem>> -> memref<1x128x128xf32, #tpu.memory_space<vmem>>
        %dma_wait3A_268 = tpu.memref_squeeze %dma_wait3A_267 : memref<1x128x128xf32, #tpu.memory_space<vmem>> -> memref<128x128xf32, #tpu.memory_space<vmem>>
        %dma_wait3A_269 = arith.constant 0 : i32
        %dma_wait3A_270 = arith.constant 0 : i32
        %dma_wait3A_271 = tpu.memref_slice %arg3[%dma_wait3A_269, %dma_wait3A_270] : memref<100000x128xf32, #tpu.memory_space<hbm>> -> memref<128x128xf32, #tpu.memory_space<hbm>>
        tpu.wait_dma2 semaphore(%arg9 : memref<!tpu.dma_semaphore, #tpu.memory_space<semaphore_mem>>) src(%dma_wait3A_271 : memref<128x128xf32, #tpu.memory_space<hbm>>) dst(%dma_wait3A_268 : memref<128x128xf32, #tpu.memory_space<vmem>>)
        %dma_wait3A_272 = arith.constant 0 : i32
        %dma_wait3A_273 = arith.constant 0 : i32
        %dma_wait3A_274 = tpu.memref_slice %arg6[%and3A_84, %dma_wait3A_272, %dma_wait3A_273] : memref<2x128x128xf32, #tpu.memory_space<vmem>> -> memref<1x128x128xf32, #tpu.memory_space<vmem>>
        %dma_wait3A_275 = tpu.memref_squeeze %dma_wait3A_274 : memref<1x128x128xf32, #tpu.memory_space<vmem>> -> memref<128x128xf32, #tpu.memory_space<vmem>>
        %dma_wait3A_276 = arith.constant 0 : i32
        %dma_wait3A_277 = arith.constant 0 : i32
        %dma_wait3A_278 = tpu.memref_slice %arg3[%dma_wait3A_276, %dma_wait3A_277] : memref<100000x128xf32, #tpu.memory_space<hbm>> -> memref<128x128xf32, #tpu.memory_space<hbm>>
        %dma_wait3A_279 = arith.constant 0 : i32
        %dma_wait3A_280 = arith.constant 0 : i32
        %dma_wait3A_281 = tpu.memref_slice %arg6[%and3A_84, %dma_wait3A_279, %dma_wait3A_280] : memref<2x128x128xf32, #tpu.memory_space<vmem>> -> memref<1x128x128xf32, #tpu.memory_space<vmem>>
        %dma_wait3A_282 = tpu.memref_squeeze %dma_wait3A_281 : memref<1x128x128xf32, #tpu.memory_space<vmem>> -> memref<128x128xf32, #tpu.memory_space<vmem>>
        %dma_wait3A_283 = arith.constant 0 : i32
        %dma_wait3A_284 = arith.constant 0 : i32
        %dma_wait3A_285 = tpu.memref_slice %arg3[%dma_wait3A_283, %dma_wait3A_284] : memref<100000x128xf32, #tpu.memory_space<hbm>> -> memref<128x128xf32, #tpu.memory_space<hbm>>
        tpu.wait_dma2 semaphore(%arg9 : memref<!tpu.dma_semaphore, #tpu.memory_space<semaphore_mem>>) src(%dma_wait3A_285 : memref<128x128xf32, #tpu.memory_space<hbm>>) dst(%dma_wait3A_282 : memref<128x128xf32, #tpu.memory_space<vmem>>)
        %dma_wait3A_286 = arith.constant 0 : i32
        %dma_wait3A_287 = arith.constant 0 : i32
        %dma_wait3A_288 = tpu.memref_slice %arg6[%and3A_84, %dma_wait3A_286, %dma_wait3A_287] : memref<2x128x128xf32, #tpu.memory_space<vmem>> -> memref<1x128x128xf32, #tpu.memory_space<vmem>>
        %dma_wait3A_289 = tpu.memref_squeeze %dma_wait3A_288 : memref<1x128x128xf32, #tpu.memory_space<vmem>> -> memref<128x128xf32, #tpu.memory_space<vmem>>
        %dma_wait3A_290 = arith.constant 0 : i32
        %dma_wait3A_291 = arith.constant 0 : i32
        %dma_wait3A_292 = tpu.memref_slice %arg3[%dma_wait3A_290, %dma_wait3A_291] : memref<100000x128xf32, #tpu.memory_space<hbm>> -> memref<128x128xf32, #tpu.memory_space<hbm>>
        %dma_wait3A_293 = arith.constant 0 : i32
        %dma_wait3A_294 = arith.constant 0 : i32
        %dma_wait3A_295 = tpu.memref_slice %arg6[%and3A_84, %dma_wait3A_293, %dma_wait3A_294] : memref<2x128x128xf32, #tpu.memory_space<vmem>> -> memref<1x128x128xf32, #tpu.memory_space<vmem>>
        %dma_wait3A_296 = tpu.memref_squeeze %dma_wait3A_295 : memref<1x128x128xf32, #tpu.memory_space<vmem>> -> memref<128x128xf32, #tpu.memory_space<vmem>>
        %dma_wait3A_297 = arith.constant 0 : i32
        %dma_wait3A_298 = arith.constant 0 : i32
        %dma_wait3A_299 = tpu.memref_slice %arg3[%dma_wait3A_297, %dma_wait3A_298] : memref<100000x128xf32, #tpu.memory_space<hbm>> -> memref<128x128xf32, #tpu.memory_space<hbm>>
        tpu.wait_dma2 semaphore(%arg9 : memref<!tpu.dma_semaphore, #tpu.memory_space<semaphore_mem>>) src(%dma_wait3A_299 : memref<128x128xf32, #tpu.memory_space<hbm>>) dst(%dma_wait3A_296 : memref<128x128xf32, #tpu.memory_space<vmem>>)
        %dma_wait3A_300 = arith.constant 0 : i32
        %dma_wait3A_301 = arith.constant 0 : i32
        %dma_wait3A_302 = tpu.memref_slice %arg6[%and3A_84, %dma_wait3A_300, %dma_wait3A_301] : memref<2x128x128xf32, #tpu.memory_space<vmem>> -> memref<1x128x128xf32, #tpu.memory_space<vmem>>
        %dma_wait3A_303 = tpu.memref_squeeze %dma_wait3A_302 : memref<1x128x128xf32, #tpu.memory_space<vmem>> -> memref<128x128xf32, #tpu.memory_space<vmem>>
        %dma_wait3A_304 = arith.constant 0 : i32
        %dma_wait3A_305 = arith.constant 0 : i32
        %dma_wait3A_306 = tpu.memref_slice %arg3[%dma_wait3A_304, %dma_wait3A_305] : memref<100000x128xf32, #tpu.memory_space<hbm>> -> memref<128x128xf32, #tpu.memory_space<hbm>>
        %dma_wait3A_307 = arith.constant 0 : i32
        %dma_wait3A_308 = arith.constant 0 : i32
        %dma_wait3A_309 = tpu.memref_slice %arg6[%and3A_84, %dma_wait3A_307, %dma_wait3A_308] : memref<2x128x128xf32, #tpu.memory_space<vmem>> -> memref<1x128x128xf32, #tpu.memory_space<vmem>>
        %dma_wait3A_310 = tpu.memref_squeeze %dma_wait3A_309 : memref<1x128x128xf32, #tpu.memory_space<vmem>> -> memref<128x128xf32, #tpu.memory_space<vmem>>
        %dma_wait3A_311 = arith.constant 0 : i32
        %dma_wait3A_312 = arith.constant 0 : i32
        %dma_wait3A_313 = tpu.memref_slice %arg3[%dma_wait3A_311, %dma_wait3A_312] : memref<100000x128xf32, #tpu.memory_space<hbm>> -> memref<128x128xf32, #tpu.memory_space<hbm>>
        tpu.wait_dma2 semaphore(%arg9 : memref<!tpu.dma_semaphore, #tpu.memory_space<semaphore_mem>>) src(%dma_wait3A_313 : memref<128x128xf32, #tpu.memory_space<hbm>>) dst(%dma_wait3A_310 : memref<128x128xf32, #tpu.memory_space<vmem>>)
        %dma_wait3A_314 = arith.constant 0 : i32
        %dma_wait3A_315 = arith.constant 0 : i32
        %dma_wait3A_316 = tpu.memref_slice %arg6[%and3A_84, %dma_wait3A_314, %dma_wait3A_315] : memref<2x128x128xf32, #tpu.memory_space<vmem>> -> memref<1x128x128xf32, #tpu.memory_space<vmem>>
        %dma_wait3A_317 = tpu.memref_squeeze %dma_wait3A_316 : memref<1x128x128xf32, #tpu.memory_space<vmem>> -> memref<128x128xf32, #tpu.memory_space<vmem>>
        %dma_wait3A_318 = arith.constant 0 : i32
        %dma_wait3A_319 = arith.constant 0 : i32
        %dma_wait3A_320 = tpu.memref_slice %arg3[%dma_wait3A_318, %dma_wait3A_319] : memref<100000x128xf32, #tpu.memory_space<hbm>> -> memref<128x128xf32, #tpu.memory_space<hbm>>
        %dma_wait3A_321 = arith.constant 0 : i32
        %dma_wait3A_322 = arith.constant 0 : i32
        %dma_wait3A_323 = tpu.memref_slice %arg6[%and3A_84, %dma_wait3A_321, %dma_wait3A_322] : memref<2x128x128xf32, #tpu.memory_space<vmem>> -> memref<1x128x128xf32, #tpu.memory_space<vmem>>
        %dma_wait3A_324 = tpu.memref_squeeze %dma_wait3A_323 : memref<1x128x128xf32, #tpu.memory_space<vmem>> -> memref<128x128xf32, #tpu.memory_space<vmem>>
        %dma_wait3A_325 = arith.constant 0 : i32
        %dma_wait3A_326 = arith.constant 0 : i32
        %dma_wait3A_327 = tpu.memref_slice %arg3[%dma_wait3A_325, %dma_wait3A_326] : memref<100000x128xf32, #tpu.memory_space<hbm>> -> memref<128x128xf32, #tpu.memory_space<hbm>>
        tpu.wait_dma2 semaphore(%arg9 : memref<!tpu.dma_semaphore, #tpu.memory_space<semaphore_mem>>) src(%dma_wait3A_327 : memref<128x128xf32, #tpu.memory_space<hbm>>) dst(%dma_wait3A_324 : memref<128x128xf32, #tpu.memory_space<vmem>>)
        %dma_wait3A_328 = arith.constant 0 : i32
        %dma_wait3A_329 = arith.constant 0 : i32
        %dma_wait3A_330 = tpu.memref_slice %arg6[%and3A_84, %dma_wait3A_328, %dma_wait3A_329] : memref<2x128x128xf32, #tpu.memory_space<vmem>> -> memref<1x128x128xf32, #tpu.memory_space<vmem>>
        %dma_wait3A_331 = tpu.memref_squeeze %dma_wait3A_330 : memref<1x128x128xf32, #tpu.memory_space<vmem>> -> memref<128x128xf32, #tpu.memory_space<vmem>>
        %dma_wait3A_332 = arith.constant 0 : i32
        %dma_wait3A_333 = arith.constant 0 : i32
        %dma_wait3A_334 = tpu.memref_slice %arg3[%dma_wait3A_332, %dma_wait3A_333] : memref<100000x128xf32, #tpu.memory_space<hbm>> -> memref<128x128xf32, #tpu.memory_space<hbm>>
        %dma_wait3A_335 = arith.constant 0 : i32
        %dma_wait3A_336 = arith.constant 0 : i32
        %dma_wait3A_337 = tpu.memref_slice %arg6[%and3A_84, %dma_wait3A_335, %dma_wait3A_336] : memref<2x128x128xf32, #tpu.memory_space<vmem>> -> memref<1x128x128xf32, #tpu.memory_space<vmem>>
        %dma_wait3A_338 = tpu.memref_squeeze %dma_wait3A_337 : memref<1x128x128xf32, #tpu.memory_space<vmem>> -> memref<128x128xf32, #tpu.memory_space<vmem>>
        %dma_wait3A_339 = arith.constant 0 : i32
        %dma_wait3A_340 = arith.constant 0 : i32
        %dma_wait3A_341 = tpu.memref_slice %arg3[%dma_wait3A_339, %dma_wait3A_340] : memref<100000x128xf32, #tpu.memory_space<hbm>> -> memref<128x128xf32, #tpu.memory_space<hbm>>
        tpu.wait_dma2 semaphore(%arg9 : memref<!tpu.dma_semaphore, #tpu.memory_space<semaphore_mem>>) src(%dma_wait3A_341 : memref<128x128xf32, #tpu.memory_space<hbm>>) dst(%dma_wait3A_338 : memref<128x128xf32, #tpu.memory_space<vmem>>)
        %mul3A_342 = arith.constant 32 : i32
        %mul3A_343 = arith.muli %scan3A_83, %mul3A_342 : i32
        %add3A_344 = arith.addi %add3A, %mul3A_343 : i32
        %mul3A_345 = arith.constant 128 : i32
        %mul3A_346 = arith.muli %add3A_344, %mul3A_345 : i32
        %multiple_of3A_347 = tpu.assume_multiple %mul3A_346, 128 : i32
        %dma_start3A_348 = arith.constant 0 : i32
        %dma_start3A_349 = arith.constant 0 : i32
        %dma_start3A_350 = tpu.memref_slice %arg6[%and3A_84, %dma_start3A_348, %dma_start3A_349] : memref<2x128x128xf32, #tpu.memory_space<vmem>> -> memref<1x128x128xf32, #tpu.memory_space<vmem>>
        %dma_start3A_351 = tpu.memref_squeeze %dma_start3A_350 : memref<1x128x128xf32, #tpu.memory_space<vmem>> -> memref<128x128xf32, #tpu.memory_space<vmem>>
        %dma_start3A_352 = arith.constant 0 : i32
        %dma_start3A_353 = tpu.memref_slice %arg4[%multiple_of3A_347, %dma_start3A_352] : memref<50048x128xf32, #tpu.memory_space<hbm>> -> memref<128x128xf32, #tpu.memory_space<hbm>>
        %dma_start3A_354 = arith.constant 0 : i32
        %dma_start3A_355 = tpu.memref_slice %arg4[%multiple_of3A_347, %dma_start3A_354] : memref<50048x128xf32, #tpu.memory_space<hbm>> -> memref<128x128xf32, #tpu.memory_space<hbm>>
        %dma_start3A_356 = arith.constant 0 : i32
        %dma_start3A_357 = arith.constant 0 : i32
        %dma_start3A_358 = tpu.memref_slice %arg6[%and3A_84, %dma_start3A_356, %dma_start3A_357] : memref<2x128x128xf32, #tpu.memory_space<vmem>> -> memref<1x128x128xf32, #tpu.memory_space<vmem>>
        %dma_start3A_359 = tpu.memref_squeeze %dma_start3A_358 : memref<1x128x128xf32, #tpu.memory_space<vmem>> -> memref<128x128xf32, #tpu.memory_space<vmem>>
        tpu.enqueue_dma source(%dma_start3A_359 : memref<128x128xf32, #tpu.memory_space<vmem>>) target(%dma_start3A_355 : memref<128x128xf32, #tpu.memory_space<hbm>>) target_semaphore(%arg10 : memref<!tpu.dma_semaphore, #tpu.memory_space<semaphore_mem>>)
        %add3A_360 = arith.constant 2 : i32
        %add3A_361 = arith.addi %scan3A_83, %add3A_360 : i32
        %mul3A_362 = arith.constant 32 : i32
        %mul3A_363 = arith.muli %add3A_361, %mul3A_362 : i32
        %add3A_364 = arith.addi %add3A, %mul3A_363 : i32
        %lt3A_365 = arith.constant 391 : i32
        %lt3A_366 = arith.cmpi slt, %add3A_364, %lt3A_365 : i32
        %convert_element_type3A_367 = arith.extui %lt3A_366 : i1 to i32
        %cond3A_368 = arith.constant 0 : i32
        %cond3A_369 = arith.cmpi ne, %convert_element_type3A_367, %cond3A_368 : i32
        scf.if %cond3A_369 {
          %add3A_370 = arith.constant 2 : i32
          %add3A_371 = arith.addi %scan3A_83, %add3A_370 : i32
          %mul3A_372 = arith.constant 32 : i32
          %mul3A_373 = arith.muli %add3A_371, %mul3A_372 : i32
          %add3A_374 = arith.addi %add3A, %mul3A_373 : i32
          %mul3A_375 = arith.constant 128 : i32
          %mul3A_376 = arith.muli %add3A_374, %mul3A_375 : i32
          %multiple_of3A_377 = tpu.assume_multiple %mul3A_376, 128 : i32
          %dma_start3A_378 = arith.constant 0 : i32
          %dma_start3A_379 = arith.constant 0 : i32
          %dma_start3A_380 = tpu.memref_slice %arg5[%and3A_84, %dma_start3A_378, %dma_start3A_379] : memref<2x10x128xi32, #tpu.memory_space<vmem>> -> memref<1x10x128xi32, #tpu.memory_space<vmem>>
          %dma_start3A_381 = tpu.memref_squeeze %dma_start3A_380 : memref<1x10x128xi32, #tpu.memory_space<vmem>> -> memref<10x128xi32, #tpu.memory_space<vmem>>
          %dma_start3A_382 = arith.constant 0 : i32
          %dma_start3A_383 = tpu.memref_slice %arg2[%dma_start3A_382, %multiple_of3A_377] : memref<10x50048xi32, #tpu.memory_space<hbm>> -> memref<10x128xi32, #tpu.memory_space<hbm>>
          %dma_start3A_384 = arith.constant 0 : i32
          %dma_start3A_385 = arith.constant 0 : i32
          %dma_start3A_386 = tpu.memref_slice %arg5[%and3A_84, %dma_start3A_384, %dma_start3A_385] : memref<2x10x128xi32, #tpu.memory_space<vmem>> -> memref<1x10x128xi32, #tpu.memory_space<vmem>>
          %dma_start3A_387 = tpu.memref_squeeze %dma_start3A_386 : memref<1x10x128xi32, #tpu.memory_space<vmem>> -> memref<10x128xi32, #tpu.memory_space<vmem>>
          %dma_start3A_388 = arith.constant 0 : i32
          %dma_start3A_389 = tpu.memref_slice %arg2[%dma_start3A_388, %multiple_of3A_377] : memref<10x50048xi32, #tpu.memory_space<hbm>> -> memref<10x128xi32, #tpu.memory_space<hbm>>
          tpu.enqueue_dma source(%dma_start3A_389 : memref<10x128xi32, #tpu.memory_space<hbm>>) target(%dma_start3A_387 : memref<10x128xi32, #tpu.memory_space<vmem>>) target_semaphore(%arg7 : memref<!tpu.dma_semaphore, #tpu.memory_space<semaphore_mem>>)
        } else {
        }
      } else {
      }
    }
    %scan3A_52 = arith.constant 13 : i32
    %dma_wait3A_53 = arith.constant 0 : i32
    %dma_wait3A_54 = arith.constant 0 : i32
    %dma_wait3A_55 = arith.constant 0 : i32
    %dma_wait3A_56 = tpu.memref_slice %arg6[%dma_wait3A_53, %dma_wait3A_54, %dma_wait3A_55] : memref<2x128x128xf32, #tpu.memory_space<vmem>> -> memref<1x128x128xf32, #tpu.memory_space<vmem>>
    %dma_wait3A_57 = tpu.memref_squeeze %dma_wait3A_56 : memref<1x128x128xf32, #tpu.memory_space<vmem>> -> memref<128x128xf32, #tpu.memory_space<vmem>>
    %dma_wait3A_58 = arith.constant 0 : i32
    %dma_wait3A_59 = arith.constant 0 : i32
    %dma_wait3A_60 = tpu.memref_slice %arg4[%dma_wait3A_58, %dma_wait3A_59] : memref<50048x128xf32, #tpu.memory_space<hbm>> -> memref<128x128xf32, #tpu.memory_space<hbm>>
    %dma_wait3A_61 = arith.constant 0 : i32
    %dma_wait3A_62 = arith.constant 0 : i32
    %dma_wait3A_63 = tpu.memref_slice %arg4[%dma_wait3A_61, %dma_wait3A_62] : memref<50048x128xf32, #tpu.memory_space<hbm>> -> memref<128x128xf32, #tpu.memory_space<hbm>>
    %dma_wait3A_64 = arith.constant 0 : i32
    %dma_wait3A_65 = arith.constant 0 : i32
    %dma_wait3A_66 = tpu.memref_slice %arg6[%dma_wait3A_53, %dma_wait3A_64, %dma_wait3A_65] : memref<2x128x128xf32, #tpu.memory_space<vmem>> -> memref<1x128x128xf32, #tpu.memory_space<vmem>>
    %dma_wait3A_67 = tpu.memref_squeeze %dma_wait3A_66 : memref<1x128x128xf32, #tpu.memory_space<vmem>> -> memref<128x128xf32, #tpu.memory_space<vmem>>
    tpu.wait_dma2 semaphore(%arg10 : memref<!tpu.dma_semaphore, #tpu.memory_space<semaphore_mem>>) src(%dma_wait3A_67 : memref<128x128xf32, #tpu.memory_space<vmem>>) dst(%dma_wait3A_63 : memref<128x128xf32, #tpu.memory_space<hbm>>)
    %dma_wait3A_68 = arith.constant 1 : i32
    %dma_wait3A_69 = arith.constant 0 : i32
    %dma_wait3A_70 = arith.constant 0 : i32
    %dma_wait3A_71 = tpu.memref_slice %arg6[%dma_wait3A_68, %dma_wait3A_69, %dma_wait3A_70] : memref<2x128x128xf32, #tpu.memory_space<vmem>> -> memref<1x128x128xf32, #tpu.memory_space<vmem>>
    %dma_wait3A_72 = tpu.memref_squeeze %dma_wait3A_71 : memref<1x128x128xf32, #tpu.memory_space<vmem>> -> memref<128x128xf32, #tpu.memory_space<vmem>>
    %dma_wait3A_73 = arith.constant 0 : i32
    %dma_wait3A_74 = arith.constant 0 : i32
    %dma_wait3A_75 = tpu.memref_slice %arg4[%dma_wait3A_73, %dma_wait3A_74] : memref<50048x128xf32, #tpu.memory_space<hbm>> -> memref<128x128xf32, #tpu.memory_space<hbm>>
    %dma_wait3A_76 = arith.constant 0 : i32
    %dma_wait3A_77 = arith.constant 0 : i32
    %dma_wait3A_78 = tpu.memref_slice %arg4[%dma_wait3A_76, %dma_wait3A_77] : memref<50048x128xf32, #tpu.memory_space<hbm>> -> memref<128x128xf32, #tpu.memory_space<hbm>>
    %dma_wait3A_79 = arith.constant 0 : i32
    %dma_wait3A_80 = arith.constant 0 : i32
    %dma_wait3A_81 = tpu.memref_slice %arg6[%dma_wait3A_68, %dma_wait3A_79, %dma_wait3A_80] : memref<2x128x128xf32, #tpu.memory_space<vmem>> -> memref<1x128x128xf32, #tpu.memory_space<vmem>>
    %dma_wait3A_82 = tpu.memref_squeeze %dma_wait3A_81 : memref<1x128x128xf32, #tpu.memory_space<vmem>> -> memref<128x128xf32, #tpu.memory_space<vmem>>
    tpu.wait_dma2 semaphore(%arg10 : memref<!tpu.dma_semaphore, #tpu.memory_space<semaphore_mem>>) src(%dma_wait3A_82 : memref<128x128xf32, #tpu.memory_space<vmem>>) dst(%dma_wait3A_78 : memref<128x128xf32, #tpu.memory_space<hbm>>)
    return
  }
}

module attributes {stable_mosaic.version = 14 : i64} {
  func.func @body(%arg0: i32, %arg1: memref<10000x128xf32, #tpu.memory_space<vmem>>, %arg2: memref<128x128xf32, #tpu.memory_space<vmem>>, %arg3: memref<128x128xf32, #tpu.memory_space<vmem>>, %arg4: memref<10000x128xf32, #tpu.memory_space<vmem>>) attributes {dimension_semantics = [#tpu.dimension_semantics<arbitrary>], iteration_bounds = array<i64: 5>, scalar_prefetch = 0 : i64, scratch_operands = 0 : i64, tpu.core_type = #tpu.core_type<tc>, window_params = [{transform_indices = @transform_0, window_bounds = array<i64: 10000, 128>}, {pipeline_mode = #tpu.pipeline_mode<synchronous>, transform_indices = @transform_1, window_bounds = array<i64: 128, 128>}, {pipeline_mode = #tpu.pipeline_mode<synchronous>, transform_indices = @transform_2, window_bounds = array<i64: 128, 128>}, {transform_indices = @transform_3, window_bounds = array<i64: 10000, 128>}]} {
    %get3A = arith.constant 0 : index
    %get3A_0 = arith.constant 0 : index
    %get3A_1 = vector.load %arg1[%get3A, %get3A_0] : memref<10000x128xf32, #tpu.memory_space<vmem>>, vector<10000x128xf32>
    %get3A_2 = arith.constant 0 : index
    %get3A_3 = arith.constant 0 : index
    %get3A_4 = vector.load %arg2[%get3A_2, %get3A_3] : memref<128x128xf32, #tpu.memory_space<vmem>>, vector<128x128xf32>
    %dot_general3A = arith.constant dense<0.000000e+00> : vector<10000x128xf32>
    %dot_general3A_5 = tpu.matmul %get3A_1, %get3A_4, %dot_general3A {dimension_numbers = #tpu.dot_dimension_numbers<[1], [0], [0], [1], [0, 0, 1, 1], [], []>, transpose_lhs_hint = false} : vector<10000x128xf32>, vector<128x128xf32>, vector<10000x128xf32> -> vector<10000x128xf32>
    %max3A = arith.constant 0.000000e+00 : f32
    %max3A_6 = vector.broadcast %max3A : f32 to vector<10000x128xf32>
    %max3A_7 = arith.maximumf %dot_general3A_5, %max3A_6 : vector<10000x128xf32>
    %get3A_8 = arith.constant 0 : index
    %get3A_9 = arith.constant 0 : index
    %get3A_10 = vector.load %arg3[%get3A_8, %get3A_9] : memref<128x128xf32, #tpu.memory_space<vmem>>, vector<128x128xf32>
    %dot_general3A_11 = arith.constant dense<0.000000e+00> : vector<10000x128xf32>
    %dot_general3A_12 = tpu.matmul %max3A_7, %get3A_10, %dot_general3A_11 {dimension_numbers = #tpu.dot_dimension_numbers<[1], [0], [0], [1], [0, 0, 1, 1], [], []>, transpose_lhs_hint = false} : vector<10000x128xf32>, vector<128x128xf32>, vector<10000x128xf32> -> vector<10000x128xf32>
    %max3A_13 = arith.constant 0.000000e+00 : f32
    %max3A_14 = vector.broadcast %max3A_13 : f32 to vector<10000x128xf32>
    %max3A_15 = arith.maximumf %dot_general3A_12, %max3A_14 : vector<10000x128xf32>
    %swap3A = arith.constant 0 : index
    %swap3A_16 = arith.constant 0 : index
    %swap3A_17 = vector.load %arg4[%swap3A, %swap3A_16] : memref<10000x128xf32, #tpu.memory_space<vmem>>, vector<10000x128xf32>
    tpu.vector_store %arg4[%swap3A, %swap3A_16], %max3A_15 {strides = array<i32>} : memref<10000x128xf32, #tpu.memory_space<vmem>>, vector<10000x128xf32>,
    return
  }
  func.func @transform_0(%arg0: i32) -> (i32, i32) {
    %c0_i32 = arith.constant 0 : i32
    %c0_i32_0 = arith.constant 0 : i32
    return %arg0, %c0_i32 : i32, i32
  }
  func.func @transform_1(%arg0: i32) -> (i32, i32) {
    %c0_i32 = arith.constant 0 : i32
    %c0_i32_0 = arith.constant 0 : i32
    %c0_i32_1 = arith.constant 0 : i32
    return %c0_i32, %c0_i32_0 : i32, i32
  }
  func.func @transform_2(%arg0: i32) -> (i32, i32) {
    %c0_i32 = arith.constant 0 : i32
    %c0_i32_0 = arith.constant 0 : i32
    %c0_i32_1 = arith.constant 0 : i32
    return %c0_i32, %c0_i32_0 : i32, i32
  }
  func.func @transform_3(%arg0: i32) -> (i32, i32) {
    %add3A = arith.constant 0 : i32
    %add3A_0 = arith.addi %arg0, %add3A : i32
    %c0_i32 = arith.constant 0 : i32
    %c0_i32_1 = arith.constant 0 : i32
    return %add3A_0, %c0_i32 : i32, i32
  }
}

</mosaic_0001>

<sc_bundles>
// kernel: kernel.4.cloned.1.call-start
scs
__scs_entry_jumppad:
0x0: {  	(pc) =	sbr.rel $0x88, $3  }
0x1: {  	(tag) =	ssettag $0x0;
	lr =	simm.s32 $0x1  }
0x2: {  	[smem:$0x3F9D] =	sst lr;
	_ =	strace $0xD0000000  }
0x3: {  	_ = 	snop  }
0x4: {  	_ = 	snop  }
0x5: {  	_ = 	snop  }
0x6: {  	_ = 	snop  }
0x7: {  	_ = 	snop  }
__scs_overlays_trampoline_lowered:
0x8: {  	[smem:$0x3FAC] =	sst s0  }
0x9: {  	[smem:$0x3FAD] =	sst s1  }
0xa: {  	[smem:$0x3FAE] =	sst s2  }
0xb: {  	[smem:$0x3FAF] =	sst s3  }
0xc: {  	[smem:$0x3FB0] =	sst s4  }
0xd: {  	[smem:$0x3FB1] =	sst s5  }
0xe: {  	[smem:$0x3FB2] =	sst s6  }
0xf: {  	[smem:$0x3FB3] =	sst s7  }
0x10: {  	[smem:$0x3FB4] =	sst s8  }
0x11: {  	[smem:$0x3FB5] =	sst s9;
	s0 =	simm.s32 @!p0 $0x0  }
0x12: {  	s1 =	sld [smem:$0x3F9B];
	s0 =	simm.s32 @p0 $0x1  }
0x13: {  	[smem:$0x3FB6] =	sst s0;
	s0 =	simm.s32 @!p1 $0x0  }
0x14: {  	s2 =	sld [smem:$0x3F9A];
	s0 =	simm.s32 @p1 $0x1  }
0x15: {  	[smem:$0x3FB7] =	sst s0;
	s0 =	simm.s32 @!p2 $0x0  }
0x16: {  	s3 =	sld [smem:$0x3FDB];
	s0 =	simm.s32 @p2 $0x1  }
0x17: {  	s4 =	simm.s32 $0x1BF5;
	[smem:$0x3FB9] =	sst s0  }
0x18: {  	s0 =	sld [smem:$0x3F9C];
	_ =	swait.ge [sflag:s4], $0x0  }
0x19: {  	s7 =	sld [smem:$0x3F9D]  }
0x1a: {  	s8 =	sadd.s32 $0xFFFFE003, lr  }
0x1b: {  	s9 =	sadd.s32 $0xFFFFFEF7, lr;
	s5 =	simm.s32 $0xFFFFFFFF;
	p2 =	slt.u32 s8, $0xFFFFF086  }
0x1c: {  	p1 =	slt.u32 s9, $0xF7A;
	s5 =	simm.s32 @!p2 $0x0  }
0x1d: {  	s5 =	simm.s32 @p1 $0x1;
	p0 =	seq.s32 s7, s2  }
0x1e: {  	s7 =	smul.u32 @!p0 $0xF7A, s2;
	p2 =	seq.s32 @!p0 s5, $0x0  }
0x1f: {  	s9 =	smul.u32 $0xF7A, s1;
	s8 =	simm.s32 @!p0 $0x1BF5;
	p2 =	por !p2, p0  }
0x20: {  	[sflag:s8] =	ssyncset.s32 @!p0 $0xFFFFF086;
	s6 =	sadd.s32 @!p0 s3, s7;
	s7 =	simm.s32 @!p0 $0x108  }
0x21: {  	s3 =	sadd.s32 s3, s9;
	s6 =	sadd.s32 @!p0 $0x88, s6;
	s7 =	simm.s32 @p2 $0x1082  }
0x22: {  	[simem:s7], [sflag:s8] =	dma.local @!p0 [hbm:s6], $0xF7A  }
0x23: {  	s9 =	sor.u32 $0xD0000000, s2;
	s6 =	simm.s32 $0x108;
	_ =	swait.ge @!p0 [sflag:s8], $0x0  }
0x24: {  	s3 =	sadd.s32 $0x88, s3;
	s6 =	simm.s32 @!p1 $0x1082;
	[sflag:s4] =	ssyncset.s32 $0xFFFFF086  }
0x25: {  	[simem:s6], [sflag:s4] =	dma.local [hbm:s3], $0xF7A  }
0x26: {  	[smem:$0x3F9D] =	sst s1;
	(tag) =	ssettag s2;
	_ =	strace s9  }
0x27: {  	s1 =	sld [smem:$0x3FAD]  }
0x28: {  	s2 =	sld [smem:$0x3FAE]  }
0x29: {  	s4 =	sld [smem:$0x3FB0]  }
0x2a: {  	p0 =	seq.s32 s5, $0x0;
	s5 =	sld [smem:$0x3FB1]  }
0x2b: {  	s6 =	sld [smem:$0x3FB2]  }
0x2c: {  	s7 =	sld [smem:$0x3FB3]  }
0x2d: {  	s3 =	simm.s32 $0x108;
	s8 =	sld [smem:$0x3FB4]  }
0x2e: {  	s3 =	simm.s32 @!p0 $0x1082;
	s9 =	sld [smem:$0x3FB5]  }
0x2f: {  	lr =	sadd.s32 s0, s3;
	s0 =	sld [smem:$0x3FAC]  }
0x30: {  	s3 =	sld [smem:$0x3FAF]  }
0x31: {  	[smem:$0x3FB8] =	sst s10  }
0x32: {  	s10 =	sld [smem:$0x3FB6];
	_ =	sdelay $0x3  }
0x33: {  	p0 =	seq.s32 s10, $0x1;
	s10 =	sld [smem:$0x3FB8];
	_ =	sdelay $0x3  }
0x34: {  	[smem:$0x3FB8] =	sst s10  }
0x35: {  	s10 =	sld [smem:$0x3FB7];
	_ =	sdelay $0x3  }
0x36: {  	p1 =	seq.s32 s10, $0x1;
	s10 =	sld [smem:$0x3FB8];
	_ =	sdelay $0x3  }
0x37: {  	[smem:$0x3FB8] =	sst s10  }
0x38: {  	s10 =	sld [smem:$0x3FB9]  }
0x39: {  	_ = 	snop;
	(pc) =	sbr.ind lr, $3  }
0x3a: {  	_ = 	snop  }
0x3b: {  	_ = 	snop  }
0x3c: {  	p2 =	seq.s32 s10, $0x1;
	s10 =	sld [smem:$0x3FB8]  }
0x3d: {  	_ =	shalt  }
0x3e: {  	_ =	shalt  }
0x3f: {  	_ =	shalt  }
0x40: {  	_ =	shalt  }
0x41: {  	_ =	shalt  }
0x42: {  	_ =	shalt  }
0x43: {  	_ =	shalt  }
0x44: {  	_ =	shalt  }
0x45: {  	_ =	shalt  }
0x46: {  	_ =	shalt  }
0x47: {  	_ =	shalt  }
0x48: {  	_ =	shalt  }
0x49: {  	_ =	shalt  }
0x4a: {  	_ =	shalt  }
0x4b: {  	_ =	shalt  }
0x4c: {  	_ =	shalt  }
0x4d: {  	_ =	shalt  }
0x4e: {  	_ =	shalt  }
0x4f: {  	_ =	shalt  }
0x50: {  	_ =	shalt  }
0x51: {  	_ =	shalt  }
0x52: {  	_ =	shalt  }
0x53: {  	_ =	shalt  }
0x54: {  	_ =	shalt  }
0x55: {  	_ =	shalt  }
0x56: {  	_ =	shalt  }
0x57: {  	_ =	shalt  }
0x58: {  	_ =	shalt  }
0x59: {  	_ =	shalt  }
0x5a: {  	_ =	shalt  }
0x5b: {  	_ =	shalt  }
0x5c: {  	_ =	shalt  }
0x5d: {  	_ =	shalt  }
0x5e: {  	_ =	shalt  }
0x5f: {  	_ =	shalt  }
0x60: {  	_ =	shalt  }
0x61: {  	_ =	shalt  }
0x62: {  	_ =	shalt  }
0x63: {  	_ =	shalt  }
0x64: {  	_ =	shalt  }
0x65: {  	_ =	shalt  }
0x66: {  	_ =	shalt  }
0x67: {  	_ =	shalt  }
0x68: {  	_ =	shalt  }
0x69: {  	_ =	shalt  }
0x6a: {  	_ =	shalt  }
0x6b: {  	_ =	shalt  }
0x6c: {  	_ =	shalt  }
0x6d: {  	_ =	shalt  }
0x6e: {  	_ =	shalt  }
0x6f: {  	_ =	shalt  }
0x70: {  	_ =	shalt  }
0x71: {  	_ =	shalt  }
0x72: {  	_ =	shalt  }
0x73: {  	_ =	shalt  }
0x74: {  	_ =	shalt  }
0x75: {  	_ =	shalt  }
0x76: {  	_ =	shalt  }
0x77: {  	_ =	shalt  }
0x78: {  	_ =	shalt  }
0x79: {  	_ =	shalt  }
0x7a: {  	_ =	shalt  }
0x7b: {  	_ =	shalt  }
0x7c: {  	_ =	shalt  }
0x7d: {  	_ =	shalt  }
0x7e: {  	_ =	shalt  }
0x7f: {  	_ =	shalt  }
0x80: {  	_ =	shalt  }
0x81: {  	_ =	shalt  }
0x82: {  	_ =	shalt  }
0x83: {  	_ =	shalt  }
0x84: {  	_ =	shalt  }
0x85: {  	_ =	shalt  }
0x86: {  	_ =	shalt  }
0x87: {  	_ =	shalt  }
.Lfunc_end0:
.L_simem_size_0:
called_computation_lowered:
.L_overlay_start_0:
0x88: {  	s2 =	sld [smem:$0x3FD9]  }
0x89: {  	s3 =	sld [smem:$0x3FFE];
	_ =	sdelay $0x1  }
0x8a: {  	s1 =	srdreg.scid  }
0x8b: {  	s0 =	sand.u32 $0x1, s1  }
0x8c: {  	s17 =	sshll.u32 s0, $0xA;
	s2 =	sadd.s32 s3, s2  }
0x8d: {  	s2 =	sadd.s32 s2, s17  }
0x8e: {  	[smem:$0x3FC4] =	sst s2  }
0x8f: {  	_ = 	snop  }
0x90: {  	s2 =	sld [smem:$0x3FC8]  }
0x91: {  	s18 =	sld [smem:$0x3FD0];
	(tm) =	ssettm $0x1  }
0x92: {  	s4 =	sld [smem:$0x3FFB];
	_ =	sdelay $0x3  }
0x93: {  	_ =	strace s4  }
0x94: {  	s4 =	sld [smem:$0x3FFC];
	_ =	sdelay $0x3  }
0x95: {  	_ =	strace s4  }
0x96: {  	s4 =	sld [smem:$0x3FFD];
	_ =	sdelay $0x3  }
0x97: {  	_ =	strace s4  }
0x98: {  	_ =	strace $0x8FFFFFFF  }
0x99: {  	s19 =	sld [smem:$0x3FDB];
	_ =	sdelay $0x1  }
0x9a: {  	s5 =	simm.s32 $_scs_section_size  }
0x9b: {  	s6 =	simm.s32 $_size__tile_overlayer_lowered;
	s7 =	simm.s32 $_tile_overlayer_lowered  }
0x9c: {  	s22 =	simm.s32 $0x1BFF;
	s21 =	sshll.u32 s7, $0x1;
	s4 =	sadd.s32 s5, s19  }
0x9d: {  	s8 =	simm.s32 $0x0;
	s20 =	sshll.u32 s6, $0x1;
	s6 =	sadd.s32 s21, s4  }
0x9e: {  	[timem:s8], [sflag:s22] =	dma.local [hbm:s6], s20  }
0x9f: {  	_ =	swait.ge [sflag:s22], s20  }
0xa0: {  	s5 =	ssub.s32 $0x0, s20;
	[sflag:s22] =	ssyncset.done $0x0  }
0xa1: {  	[sflag:s22] =	ssyncadd.s32 s5;
	_ =	sdelay $0x1  }
0xa2: {  	s23 =	simm.s32 $0x1B8B  }
0xa3: {  	_ =	swait.ge [sflag:s23], $0x1  }
0xa4: {  	[sflag:s23] =	ssyncset.done $0x0  }
0xa5: {  	s25 =	simm.s32 $0x1B8E;
	s24 =	sld [smem:$0x3FFE];
	[sflag:s23] =	ssyncadd.s32 $0xFFFFFFFF  }
0xa6: {  	s26 =	simm.s32 $execute0_lowered;
	[smem:$0x3FD2] =	sst s25  }
0xa7: {  	s6 =	sshll.u32 s26, $0x1;
	_ =	strace $0x80000046;
	[dreg:$0x1] =	wrdreg $0xFFFFFFFF  }
0xa8: {  	s28 =	simm.s32 $_size_execute0_lowered;
	s4 =	sadd.s32 s4, s6;
	[dreg:$0x0] =	wrdreg $0x0  }
0xa9: {  	s6 =	sshll.u32 s28, $0x1;
	[dreg:$0x2] =	wrdreg s4  }
0xaa: {  	[dreg:$0x3] =	wrdreg s6  }
0xab: {  	[dreg:$0x4] =	wrdreg $0xC0  }
0xac: {  	_ =	task [dreg:s8], $0x5FFFF  }
0xad: {  	[dreg:$0x1] =	wrdreg $0xFFFFFFFF  }
0xae: {  	[dreg:$0x0] =	wrdreg $0x60  }
0xaf: {  	[dreg:$0x2] =	wrdreg s18  }
0xb0: {  	[dreg:$0x3] =	wrdreg s2  }
0xb1: {  	[dreg:$0x4] =	wrdreg s24  }
0xb2: {  	[dreg:$0x5] =	wrdreg $0x9  }
0xb3: {  	_ =	task.clear_ibuf [dreg:s8], $0x6FFFF;
	_ =	strace $0x90000046  }
0xb4: {  	s29 =	simm.s32 $0x9;
	_ =	strace $0x80000048  }
0xb5: {  	_ =	swait.ge [sflag:s29], $0x1  }
0xb6: {  	[sflag:s29] =	ssyncadd.s32 $0xFFFFFFFF  }
0xb7: {  	_ =	strace $0x90000048  }
0xb8: {  	_ =	sfence  }
0xb9: {  	s30 =	sld [smem:$0x0];
	_ =	sdelay $0x2  }
0xba: {  	s31 =	sshll.u32 s1, $0xD;
	s1 =	sshrl.u32 s1, $0x2  }
0xbb: {  	s3 =	sand.u32 $0x4000, s31;
	s1 =	sadd.s32 s1, s30  }
0xbc: {  	s0 =	sor.u32 s3, s0;
	s1 =	sshll.u32 s1, $0x11  }
0xbd: {  	s0 =	sor.u32 s1, s0  }
0xbe: {  	s0 =	sadd.s32 $0x8F2B, s0  }
0xbf: {  	[sflag:s0] =	ssyncadd.remote.s32 $0x1  }
0xc0: {  	_ =	sfence.sel $0xFFFF  }
0xc1: {  	[dreg:$0x0] =	wrdreg $0xFFFFFFFF;
	(pc) =	sbr.abs _section_cstart, $3  }
0xc2: {  	[dreg:$0x1] =	wrdreg $0xFFFFFFFF  }
0xc3: {  	_ =	task.clear_ibuf [dreg:s8], $0x2FFFF;
	_ =	strace $0x9FFFFFFF  }
0xc4: {  	(tm) =	ssettm $0x7FFFFFFF  }
0xc5: {  	_ =	shalt  }
tec
execute0_lowered:
.L_overlay_start_1:
0x0: {  	(tag) =	ssettag $0x1  }
0x1: {  	s10 =	rddreg [dreg:$0x0]  }
0x2: {  	s2 =	rddreg [dreg:$0x1]  }
0x3: {  	s5 =	rddreg [dreg:$0x2];
	s3 =	simm.s32 $0x0;
	s0 =	stileid.u32  }
0x4: {  	s4 =	srdreg.scid;
	s16 =	simm.s32 $0x1;
	s17 =	simm.s32 $0x80  }
0x5: {  	s18 =	simm.s32 $0x1000;
	s19 =	simm.s32 $0x2;
	s20 =	simm.s32 $0x3  }
0x6: {  	s21 =	simm.s32 $0x4;
	s22 =	simm.s32 $0x0;
	[smem:$0x7FF] =	sst s3  }
0x7: {  	s11 =	sand.u32 $0x1, s4;
	s29 =	sshll.u32 s0, $0x1;
	s6 =	sshll.u32 s0, $0xC  }
0x8: {  	s14 =	sshll.u32 s0, $0x8;
	_ =	strace $0x80000047;
	s4 =	sor.u32 s11, s29  }
0x9: {  	s7 =	ssub.s32 $0x2, s11;
	s12 =	sadd.s32 s6, s5;
	s14 =	sadd.s32 s14, s10  }
0xa: {  	s15 =	sshll.u32 s11, $0x7;
	s11 =	sshll.u32 s11, $0xB;
	s8 =	sshll.u32 s4, $0x7  }
.Ltmp0:
0xb: {  	s30 =	sshrl.u32 s7, $0x1;
	s9 =	ssub.s32 $0x167, s4;
	(pc) =	sbr.rel .LBB2_1-.Ltmp0, $4  }
0xc: {  	s31 =	sadd.s32 s15, s14;
	s12 =	sadd.s32 s11, s12;
	s14 =	simm.s32 $0x800  }
0xd: {  	s15 =	simm.s32 $0xC00;
	s5 =	sadd.s32 s10, s8;
	s13 =	ssub.s32 s7, s30  }
0xe: {  	s11 =	sadd.s32 $0x2000, s31;
	s12 =	sadd.s32 $0x800, s12;
	s6 =	sadd.s32 $0xC380, s5  }
0xf: {  	s7 =	sadd.s32 $0x1000, s5;
	s8 =	sadd.s32 $0xD380, s5;
	s10 =	smax.u32 s13, $0x1  }
.LBB2_5:
0x10: {  	s22 =	sadd.s32 $0x1, s22  }
0x11: {  	_ =	swait.ge [sflag:s21], $0x4000;
	p0 =	sne.s32 s22, s10  }
.Ltmp1:
0x12: {  	[sflag:s21] =	ssyncset.done $0x0;
	(pc) =	sbr.rel @!p0 .LBB2_6-.Ltmp1, $4  }
0x13: {  	[sflag:s21] =	ssyncadd.s32 $0xFFFFC000  }
0x14: {  	_ =	swait.ge [sflag:s21], $0x4000  }
0x15: {  	[sflag:s21] =	ssyncset.done $0x0  }
0x16: {  	[sflag:s21] =	ssyncadd.s32 $0xFFFFC000  }
.LBB2_1:
0x17: {  	[tilespmem:s3], [sflag:$0x1] =	stream.linear.gather [hbm4b:s5+s3], $0x400, $0x38;
	[tilespmem:$0x9000] =	vst v63  }
0x18: {  	s0 =	simm.s32 $0x400  }
0x19: {  	[tilespmem:s0], [sflag:$0x1] =	stream.linear.gather [hbm4b:s6+s3], $0x100, $0x38;
	[tilespmem:$0x9000] =	vst v63  }
0x1a: {  	_ = 	snop  }
0x1b: {  	[tilespmem:s14], [sflag:$0x1] =	stream.linear.gather [hbm4b:s7+s3], $0x400, $0x38;
	[tilespmem:$0x9000] =	vst v63  }
0x1c: {  	_ = 	snop  }
0x1d: {  	[tilespmem:s15], [sflag:$0x1] =	stream.linear.gather [hbm4b:s8+s3], $0x100, $0x38;
	[tilespmem:$0x9000] =	vst v63  }
.Ltmp2:
0x1e: {  	_ = 	snop;
	(pc) =	sbr.rel .LBB2_2-.Ltmp2, $4  }
0x1f: {  	_ =	swait.ge [sflag:s16], $0x500  }
0x20: {  	s23 =	smov.u32 s12;
	s24 =	smov.u32 s11;
	[sflag:s16] =	ssyncset.done $0x0  }
0x21: {  	s25 =	simm.s32 $0x0;
	s26 =	simm.s32 $0x0;
	[sflag:s16] =	ssyncadd.s32 $0xFFFFFB00  }
0x22: {  	[tilespmem:s18], [sflag:$0x2] =	stream.indirect.gather [hbm4b:s2+s17], $0x80, s3, s17, $0xb8;
	[tilespmem:$0x9000] =	vst v63  }
.LBB2_4:
0x23: {  	s25 =	sadd.s32 $0x20, s25  }
0x24: {  	p0 =	sne.s32 s25, $0x1A0  }
.Ltmp3:
0x25: {  	_ = 	snop;
	(pc) =	sbr.rel @!p0 .LBB2_5-.Ltmp3, $2  }
0x26: {  	_ =	sdelay $0x2  }
0x27: {  	s26 =	sadd.s32 $0x1, s26;
	s24 =	sadd.s32 $0x1000, s24;
	s23 =	sadd.s32 $0x10000, s23  }
.LBB2_2:
0x28: {  	s28 =	sadd.s32 s25, s4  }
0x29: {  	p0 =	sgt.u32 s28, $0x186  }
.Ltmp4:
0x2a: {  	_ = 	snop;
	(pc) =	sbr.rel @p0 .LBB2_4-.Ltmp4, $1  }
0x2b: {  	_ =	sdelay $0x3  }
0x2c: {  	s31 =	sand.u32 $0x1, s26;
	_ =	swait.ge [sflag:s19], $0x4000  }
0x2d: {  	s30 =	sshll.u32 s31, $0xE;
	[sflag:s19] =	ssyncset.done $0x0;
	s29 =	sshll.u32 s31, $0xB  }
0x2e: {  	s30 =	sor.u32 $0x1000, s30;
	[sflag:s19] =	ssyncadd.s32 $0xFFFFC000;
	s0 =	sor.u32 $0x80, s29  }
0x2f: {  	[tilespmem:s30], [sflag:$0x3] =	stream.indirect.gather.add.f32 [hbm:s2], $0x80, s0, s17, $0xb8;
	[tilespmem:$0x9000] =	vst v63  }
0x30: {  	s1 =	sor.u32 $0x100, s29  }
0x31: {  	[tilespmem:s30], [sflag:$0x3] =	stream.indirect.gather.add.f32 [hbm:s2], $0x80, s1, s17, $0xb8;
	[tilespmem:$0x9000] =	vst v63  }
0x32: {  	s13 =	sor.u32 $0x180, s29  }
0x33: {  	[tilespmem:s30], [sflag:$0x3] =	stream.indirect.gather.add.f32 [hbm:s2], $0x80, s13, s17, $0xb8;
	[tilespmem:$0x9000] =	vst v63  }
0x34: {  	s1 =	sor.u32 $0x200, s29  }
0x35: {  	[tilespmem:s30], [sflag:$0x3] =	stream.indirect.gather.add.f32 [hbm:s2], $0x80, s1, s17, $0xb8;
	[tilespmem:$0x9000] =	vst v63  }
0x36: {  	s13 =	sor.u32 $0x280, s29  }
0x37: {  	[tilespmem:s30], [sflag:$0x3] =	stream.indirect.gather.add.f32 [hbm:s2], $0x80, s13, s17, $0xb8;
	[tilespmem:$0x9000] =	vst v63  }
0x38: {  	s1 =	sor.u32 $0x300, s29  }
0x39: {  	[tilespmem:s30], [sflag:$0x3] =	stream.indirect.gather.add.f32 [hbm:s2], $0x80, s1, s17, $0xb8;
	[tilespmem:$0x9000] =	vst v63  }
0x3a: {  	s13 =	sor.u32 $0x380, s29  }
0x3b: {  	[tilespmem:s30], [sflag:$0x3] =	stream.indirect.gather.add.f32 [hbm:s2], $0x80, s13, s17, $0xb8;
	[tilespmem:$0x9000] =	vst v63  }
0x3c: {  	s0 =	sor.u32 $0x400, s29  }
0x3d: {  	[tilespmem:s30], [sflag:$0x3] =	stream.indirect.gather.add.f32 [hbm:s2], $0x80, s0, s17, $0xb8;
	[tilespmem:$0x9000] =	vst v63  }
0x3e: {  	p0 =	sge.u32 s25, s9;
	s1 =	sor.u32 $0x480, s29  }
0x3f: {  	[tilespmem:s30], [sflag:$0x3] =	stream.indirect.gather.add.f32 [hbm:s2], $0x80, s1, s17, $0xb8;
	[tilespmem:$0x9000] =	vst v63  }
0x40: {  	s1 =	simm.s32 @!p0 $0x1  }
0x41: {  	p1 =	seq.s32 @!p0 s25, $0x0;
	_ =	swait.ge @!p0 [sflag:s1], $0x500  }
0x42: {  	p1 =	por p1, p0;
	[sflag:s1] =	ssyncset.done @!p0 $0x0  }
0x43: {  	[sflag:s1] =	ssyncadd.s32 @!p0 $0xFFFFFB00;
	s1 =	simm.s32 @!p1 $0x4  }
0x44: {  	_ =	swait.ge @!p1 [sflag:s1], $0x4000  }
0x45: {  	s31 =	sxor.u32 @!p0 $0x1, s31;
	[sflag:s1] =	ssyncset.done @!p1 $0x0  }
0x46: {  	[sflag:s1] =	ssyncadd.s32 @!p1 $0xFFFFC000;
	s1 =	sshll.u32 @!p0 s31, $0xE  }
0x47: {  	s13 =	simm.s32 @!p0 $0x80;
	s31 =	sshll.u32 @!p0 s31, $0xB;
	s1 =	sor.u32 @!p0 $0x1000, s1  }
0x48: {  	[tilespmem:s1], [sflag:$0x2] =	stream.indirect.gather @!p0 [hbm4b:s2+s13], $0x80, s31, s13, $0xb8;
	[tilespmem:$0x9000] =	vst v63  }
0x49: {  	_ =	swait.ge [sflag:s20], $0x4000  }
0x4a: {  	[sflag:s20] =	ssyncset.done $0x0  }
0x4b: {  	[sflag:s20] =	ssyncadd.s32 $0xFFFFC000  }
0x4c: {  	_ =	swait.ge [sflag:s20], $0x4000  }
0x4d: {  	[sflag:s20] =	ssyncset.done $0x0  }
0x4e: {  	[sflag:s20] =	ssyncadd.s32 $0xFFFFC000  }
0x4f: {  	_ =	swait.ge [sflag:s20], $0x4000  }
0x50: {  	[sflag:s20] =	ssyncset.done $0x0  }
0x51: {  	[sflag:s20] =	ssyncadd.s32 $0xFFFFC000  }
0x52: {  	_ =	swait.ge [sflag:s20], $0x4000  }
0x53: {  	[sflag:s20] =	ssyncset.done $0x0  }
0x54: {  	[sflag:s20] =	ssyncadd.s32 $0xFFFFC000  }
0x55: {  	_ =	swait.ge [sflag:s20], $0x4000  }
0x56: {  	[sflag:s20] =	ssyncset.done $0x0  }
0x57: {  	[sflag:s20] =	ssyncadd.s32 $0xFFFFC000  }
0x58: {  	_ =	swait.ge [sflag:s20], $0x4000  }
0x59: {  	[sflag:s20] =	ssyncset.done $0x0  }
0x5a: {  	[sflag:s20] =	ssyncadd.s32 $0xFFFFC000  }
0x5b: {  	_ =	swait.ge [sflag:s20], $0x4000  }
0x5c: {  	[sflag:s20] =	ssyncset.done $0x0  }
0x5d: {  	[sflag:s20] =	ssyncadd.s32 $0xFFFFC000  }
0x5e: {  	_ =	swait.ge [sflag:s20], $0x4000  }
0x5f: {  	[sflag:s20] =	ssyncset.done $0x0  }
0x60: {  	[sflag:s20] =	ssyncadd.s32 $0xFFFFC000  }
0x61: {  	_ =	swait.ge [sflag:s20], $0x4000  }
0x62: {  	[sflag:s20] =	ssyncset.done $0x0  }
0x63: {  	s31 =	sadd.s32 $0x40, s28;
	[sflag:s20] =	ssyncadd.s32 $0xFFFFC000  }
0x64: {  	[hbm4b:s23+s3] =	stream.linear.scatter [tilespmem:s30], [sflag:$0x4], $0x4000, $0x38;
	[tilespmem:$0x9000] =	vst v63  }
.Ltmp5:
0x65: {  	p0 =	sgt.u32 s31, $0x186;
	(pc) =	sbr.rel .LBB2_4-.Ltmp5, $4  }
0x66: {  	s1 =	simm.s32 @!p0 $0x0  }
0x67: {  	[tilespmem:s29], [sflag:$0x1] =	stream.linear.gather @!p0 [hbm4b:s24+s1], $0x400, $0x38;
	[tilespmem:$0x9000] =	vst v63  }
0x68: {  	s13 =	sadd.s32 @!p0 $0xC380, s24  }
0x69: {  	[tilespmem:s0], [sflag:$0x1] =	stream.linear.gather @!p0 [hbm4b:s13+s1], $0x100, $0x38;
	[tilespmem:$0x9000] =	vst v63  }
.LBB2_6:
0x6a: {  	_ =	sfence.sel $0x180000  }
0x6b: {  	[bflag:$0x0] =	sbarrier.arrive $0xFFFF  }
0x6c: {  	_ =	strace $0x90000047  }
0x6d: {  	s0 =	stileid.u32;
	[bflag:$0x2] =	sbarrier.arrive $0xFFFF  }
0x6e: {  	p0 =	sne.s32 s0, $0x0;
	s0 =	rddreg [dreg:$0x3]  }
0x6f: {  	s0 =	sadd.s32 @!p0 $0x100000, s0  }
0x70: {  	[sflag:s0] =	ssyncadd.tile.s32 @!p0 $0x1;
	_ =	shalt  }
.Lfunc_end2:
_tile_overlayer_lowered:
.L_overlay_start_2:
0x71: {  	(tag) =	ssettag $0x2  }
0x72: {  	s0 =	rddreg [dreg:$0x0];
	s2 =	stileid.u32  }
0x73: {  	s1 =	rddreg [dreg:$0x1];
	p0 =	sne.s32 s2, $0x0  }
0x74: {  	s3 =	rddreg [dreg:$0x2];
	[bflag:$0x3] =	sbarrier.arrive $0xFFFF;
	s2 =	simm.s32 @!p0 $0x1C05  }
0x75: {  	[timem:s3], [sflag:s2] =	dma.local @!p0 [hbm:s0], s1  }
0x76: {  	s0 =	simm.s32 @!p0 $0x5  }
0x77: {  	_ =	swait.ge @!p0 [sflag:s0], s1  }
0x78: {  	s1 =	ssub.s32 @!p0 $0x0, s1;
	[sflag:s0] =	ssyncset.done @!p0 $0x0  }
0x79: {  	[sflag:s0] =	ssyncadd.s32 @!p0 s1  }
0x7a: {  	[bflag:$0x3] =	sbarrier.arrive $0xFFFF  }
0x7b: {  	_ =	shalt  }

</sc_bundles>
